<compile_context>
chip_gen: v7x
topology: tpu7x:2x2x1
jax: 0.10.2.dev20260603
libtpu: 0.0.44.dev20260713+nightly
codegen_flags: <defaults>
</compile_context>

<pallas_src>
import functools

import jax
import jax.numpy as jnp
from jax import lax
from jax.experimental import pallas as pl
from jax.experimental.pallas import tpu as pltpu
from jax.experimental.pallas import tpu_sc as plsc

N = 10000
NP = 10240
E = 160000
B = 2
T = 12
H = 64
PRED = 12
NC = 2
NS = 16
L = 16
CH = 8000
NCH = 20
EP = NCH * CH
EPT = EP // (NC * NS)


def _zero_vmem(buf, n):
    def z(i, _):
        buf[pl.ds(i * L, L)] = jnp.zeros((L,), jnp.float32)
        return 0
    lax.fori_loop(0, n // L, z, 0)


def _deg_body(dst_hbm, ew_hbm, out_hbm, dstb, ewb, zb, idxb, deg_sp):
    c = lax.axis_index("c")
    s = lax.axis_index("s")
    w = c * NS + s
    base = w * EPT
    pltpu.sync_copy(dst_hbm.at[pl.ds(base, EPT)], dstb)
    pltpu.sync_copy(ew_hbm.at[pl.ds(base, EPT)], ewb)
    _zero_vmem(zb, NP)
    pltpu.sync_copy(zb, deg_sp.at[pl.ds(s * NP, NP)])
    soff = s * NP

    def f(i, _):
        dv = dstb[pl.ds(i * L, L)]
        idxb[pl.ds(i * L, L)] = dv + soff
        return 0
    lax.fori_loop(0, EPT // L, f, 0)
    dtail = dstb[pl.ds(EPT - L, L)]
    idxb[pl.ds(EPT - L, L)] = dtail + soff
    pltpu.sync_copy(ewb, deg_sp.at[idxb], add=True)
    pltpu.sync_copy(deg_sp.at[pl.ds(s * NP, NP)], zb)
    pltpu.sync_copy(zb, out_hbm.at[w])


@functools.lru_cache(maxsize=None)
def _deg_call():
    mesh = plsc.VectorSubcoreMesh(core_axis_name="c", subcore_axis_name="s",
                                  num_cores=NC, num_subcores=NS)
    return pl.kernel(
        _deg_body,
        out_type=jax.ShapeDtypeStruct((NC * NS, NP), jnp.float32),
        mesh=mesh,
        compiler_params=pltpu.CompilerParams(needs_layout_passes=False, use_tc_tiling_on_sc=False),
        scratch_types=[
            pltpu.VMEM((EPT,), jnp.int32),
            pltpu.VMEM((EPT,), jnp.float32),
            pltpu.VMEM((NP,), jnp.float32),
            pltpu.VMEM((EPT,), jnp.int32),
            pltpu.VMEM_SHARED((NS * NP,), jnp.float32),
        ],
    )


def _dinv_body(parts_ref, o_ref):
    d = jnp.sum(parts_ref[...], axis=0, keepdims=True) + 1.0
    di = lax.rsqrt(d)
    o_ref[...] = jnp.concatenate([di, di * di], axis=0)


def _dinv_call(parts):
    return pl.pallas_call(
        _dinv_body,
        out_shape=jax.ShapeDtypeStruct((2, NP), jnp.float32),
    )(parts)


def _sconv_body(xt_hbm, dinv_hbm, src_hbm, dst_hbm, ew_hbm, out_hbm,
                xc, dinv, selfb, srcb0, dstb0, ewb0, srcb1, dstb1, ewb1,
                msgb0, idxb0, msgb1, idxb1, sem0, sem1, ssem0, ssem1, s_sp):
    c = lax.axis_index("c")
    s = lax.axis_index("s")

    @pl.when(s < T)
    def _():
        col = c * T + s
        pltpu.sync_copy(xt_hbm.at[col], xc.at[pl.ds(0, N)])

        def zt(i, _):
            xc[pl.ds(N + i * L, L)] = jnp.zeros((L,), jnp.float32)
            return 0
        lax.fori_loop(0, (NP - N) // L, zt, 0)
        pltpu.sync_copy(dinv_hbm.at[0], dinv)

        def yf(i, _):
            dv = dinv[pl.ds(i * L, L)]
            xv = xc[pl.ds(i * L, L)]
            xc[pl.ds(i * L, L)] = dv * xv
            return 0
        lax.fori_loop(0, NP // L, yf, 0)
        soff = s * NP
        pltpu.sync_copy(xc, s_sp.at[pl.ds(soff, NP)])

        srcs = [srcb0, srcb1]
        dsts = [dstb0, dstb1]
        ews = [ewb0, ewb1]
        msgs = [msgb0, msgb1]
        idxs = [idxb0, idxb1]
        sems = [sem0, sem1]
        ssems = [ssem0, ssem1]

        def start_inputs(q, slot):
            base = q * CH
            pltpu.async_copy(src_hbm.at[pl.ds(base, CH)], srcs[slot],
                             sems[slot])
            pltpu.async_copy(dst_hbm.at[pl.ds(base, CH)], dsts[slot],
                             sems[slot])
            pltpu.async_copy(ew_hbm.at[pl.ds(base, CH)], ews[slot],
                             sems[slot])

        def wait_inputs(q, slot):
            base = q * CH
            pltpu.make_async_copy(src_hbm.at[pl.ds(base, CH)], srcs[slot],
                                  sems[slot]).wait()
            pltpu.make_async_copy(dst_hbm.at[pl.ds(base, CH)], dsts[slot],
                                  sems[slot]).wait()
            pltpu.make_async_copy(ew_hbm.at[pl.ds(base, CH)], ews[slot],
                                  sems[slot]).wait()

        start_inputs(0, 0)
        start_inputs(1, 1)

        def chunk2(q2, _):
            for u in range(2):
                q = q2 * 2 + u
                wait_inputs(q, u)

                @pl.when(q >= 2)
                def _():
                    pltpu.make_async_copy(msgs[u], s_sp.at[idxs[u]],
                                          ssems[u]).wait()

                def inner(i4, _):
                    for u4 in range(4):
                        o = (i4 * 4 + u4) * L
                        sv = srcs[u][pl.ds(o, L)]
                        dv = dsts[u][pl.ds(o, L)]
                        ev = ews[u][pl.ds(o, L)]
                        yv = plsc.load_gather(xc, [sv])
                        msgs[u][pl.ds(o, L)] = yv * ev
                        idxs[u][pl.ds(o, L)] = dv + soff
                    return 0
                lax.fori_loop(0, CH // L // 4, inner, 0)

                @pl.when(q + 2 < NCH)
                def _():
                    start_inputs(q + 2, u)
                pltpu.async_copy(msgs[u], s_sp.at[idxs[u]], ssems[u],
                                 add=True)
            return 0
        lax.fori_loop(0, NCH // 2, chunk2, 0)
        pltpu.make_async_copy(msgs[0], s_sp.at[idxs[0]], ssems[0]).wait()
        pltpu.make_async_copy(msgs[1], s_sp.at[idxs[1]], ssems[1]).wait()

        pltpu.sync_copy(s_sp.at[pl.ds(soff, NP)], selfb)

        def ff(i, _):
            av = selfb[pl.ds(i * L, L)]
            dv = dinv[pl.ds(i * L, L)]
            selfb[pl.ds(i * L, L)] = av * dv
            return 0
        lax.fori_loop(0, NP // L, ff, 0)
        pltpu.sync_copy(selfb, out_hbm.at[c * 16 + s])


@functools.lru_cache(maxsize=None)
def _sconv_call():
    mesh = plsc.VectorSubcoreMesh(core_axis_name="c", subcore_axis_name="s",
                                  num_cores=NC, num_subcores=NS)
    return pl.kernel(
        _sconv_body,
        out_type=jax.ShapeDtypeStruct((2 * 16, NP), jnp.float32),
        mesh=mesh,
        compiler_params=pltpu.CompilerParams(needs_layout_passes=False, use_tc_tiling_on_sc=False),
        scratch_types=[
            pltpu.VMEM((NP,), jnp.float32),
            pltpu.VMEM((NP,), jnp.float32),
            pltpu.VMEM((NP,), jnp.float32),
            pltpu.VMEM((CH,), jnp.int32),
            pltpu.VMEM((CH,), jnp.int32),
            pltpu.VMEM((CH,), jnp.float32),
            pltpu.VMEM((CH,), jnp.int32),
            pltpu.VMEM((CH,), jnp.int32),
            pltpu.VMEM((CH,), jnp.float32),
            pltpu.VMEM((CH,), jnp.float32),
            pltpu.VMEM((CH,), jnp.int32),
            pltpu.VMEM((CH,), jnp.float32),
            pltpu.VMEM((CH,), jnp.int32),
            pltpu.SemaphoreType.DMA,
            pltpu.SemaphoreType.DMA,
            pltpu.SemaphoreType.DMA,
            pltpu.SemaphoreType.DMA,
            pltpu.VMEM_SHARED((T * NP,), jnp.float32),
        ],
    )


R = 2048


def _gru_body(s_ref, wg_ref, bg_ref, wih_ref, whh_ref, bih_ref, bhh_ref,
              wo_ref, bo_ref, o_ref):
    s_all = s_ref[...]
    wg = wg_ref[...]
    bg = bg_ref[...]
    bih = bih_ref[...]
    bhh = bhh_ref[...]
    wih = wih_ref[...].astype(jnp.bfloat16)
    whh = whh_ref[...].astype(jnp.bfloat16)
    wo = wo_ref[...].astype(jnp.bfloat16)
    h = jnp.zeros((H, R), jnp.float32)
    for t in range(T):
        st = s_all[t:t + 1, :]
        g = jnp.maximum(wg * st + bg, 0.0)
        gi = jnp.dot(wih, g.astype(jnp.bfloat16),
                     preferred_element_type=jnp.float32) + bih
        gh = jnp.dot(whh, h.astype(jnp.bfloat16),
                     preferred_element_type=jnp.float32) + bhh
        r = jax.nn.sigmoid(gi[0:H] + gh[0:H])
        z = jax.nn.sigmoid(gi[H:2 * H] + gh[H:2 * H])
        n = jnp.tanh(gi[2 * H:] + r * gh[2 * H:])
        h = (1.0 - z) * n + z * h
    o_ref[...] = (jnp.dot(wo, h.astype(jnp.bfloat16),
                          preferred_element_type=jnp.float32) + bo_ref[...])


def _gru_call(s_arr, wg, bg, wih, whh, bih, bhh, wo, bo):
    full = lambda shape: pl.BlockSpec(shape, lambda b, j: (0, 0))
    return pl.pallas_call(
        _gru_body,
        grid=(B, NP // R),
        in_specs=[
            pl.BlockSpec((16, R), lambda b, j: (b, j)),
            full((H, 1)), full((H, 1)),
            full((3 * H, H)), full((3 * H, H)),
            full((3 * H, 1)), full((3 * H, 1)),
            full((16, H)), full((16, 1)),
        ],
        out_specs=pl.BlockSpec((16, R), lambda b, j: (b, j)),
        out_shape=jax.ShapeDtypeStruct((2 * 16, NP), jnp.float32),
    )(s_arr, wg, bg, wih, whh, bih, bhh, wo, bo)


def kernel(x, edge_index, edge_weight, W_gcn, b_gcn, W_ih, W_hh, b_ih, b_hh,
           W_out, b_out):
    src_p = edge_index[0]
    dst_p = edge_index[1]
    ew_p = edge_weight
    xt = jnp.transpose(x[..., 0], (0, 2, 1)).reshape(B * T, N)

    deg_parts = _deg_call()(dst_p, ew_p)
    dinv2 = _dinv_call(deg_parts)
    s_arr = _sconv_call()(xt, dinv2, src_p, dst_p, ew_p)

    wg = W_gcn.reshape(1, H).T
    bg = b_gcn.reshape(H, 1)
    bih = b_ih.reshape(3 * H, 1)
    bhh = b_hh.reshape(3 * H, 1)
    wo = jnp.concatenate(
        [W_out, jnp.zeros((16 - PRED, H), jnp.float32)], axis=0)
    bo = jnp.concatenate(
        [b_out, jnp.zeros((16 - PRED,), jnp.float32)]).reshape(16, 1)

    o = _gru_call(s_arr, wg, bg, W_ih, W_hh, bih, bhh, wo, bo)
    out = o.reshape(B, 16, NP)[:, :PRED, :N].transpose(0, 2, 1)
    return out

# --- scband reference (transcript-rebuilt; emitter-appended) ---
"""Pipeline reference for scband-stgnn-20332375179903 (READ-ONLY COPY).

The authoritative reference and input builder live on the scoring server;
editing this copy changes nothing except your own understanding.
"""

import jax, jax.numpy as jnp
import numpy as np

N = 10000
E = 160000
B = 2
T = 12
F = 1
GCN_H = 64
GRU_H = 64
PRED = 12


def setup_inputs(seed: int = 0) -> dict:
    key = jax.random.key(seed)
    ks = jax.random.split(key, 12)
    x = jax.random.normal(ks[0], (B, N, T, F), dtype=jnp.float32)
    edge_index = jax.random.randint(ks[1], (2, E), 0, N, dtype=jnp.int32)
    edge_weight = jax.random.uniform(ks[2], (E,), dtype=jnp.float32)
    W_gcn = jax.random.normal(ks[3], (F, GCN_H), dtype=jnp.float32) * 0.1
    b_gcn = jnp.zeros((GCN_H,), dtype=jnp.float32)
    W_ih = jax.random.normal(ks[4], (3 * GRU_H, GCN_H), dtype=jnp.float32) * 0.05
    W_hh = jax.random.normal(ks[5], (3 * GRU_H, GRU_H), dtype=jnp.float32) * 0.05
    b_ih = jnp.zeros((3 * GRU_H,), dtype=jnp.float32)
    b_hh = jnp.zeros((3 * GRU_H,), dtype=jnp.float32)
    W_out = jax.random.normal(ks[6], (PRED * F, GRU_H), dtype=jnp.float32) * 0.05
    b_out = jnp.zeros((PRED * F,), dtype=jnp.float32)
    return {"x": x, "edge_index": edge_index, "edge_weight": edge_weight,
            "W_gcn": W_gcn, "b_gcn": b_gcn, "W_ih": W_ih, "W_hh": W_hh,
            "b_ih": b_ih, "b_hh": b_hh, "W_out": W_out, "b_out": b_out}


def _gcn_conv(x_flat, src, dst, ew, W, b, num_total):
    # PyG GCNConv: add self-loops, symmetric normalization D^-1/2 (A+I) D^-1/2
    xw = x_flat @ W
    loop = jnp.arange(num_total, dtype=src.dtype)
    src2 = jnp.concatenate([src, loop])
    dst2 = jnp.concatenate([dst, loop])
    ew2 = jnp.concatenate([ew, jnp.ones((num_total,), dtype=ew.dtype)])
    deg = jax.ops.segment_sum(ew2, dst2, num_segments=num_total)
    dinv = jnp.where(deg > 0, deg ** -0.5, 0.0)
    norm = dinv[src2] * ew2 * dinv[dst2]
    msg = xw[src2] * norm[:, None]
    out = jax.ops.segment_sum(msg, dst2, num_segments=num_total)
    return out + b


def reference(x, edge_index, edge_weight, W_gcn, b_gcn, W_ih, W_hh, b_ih, b_hh, W_out, b_out):
    batch = x.shape[0]
    offsets = (jnp.arange(batch, dtype=edge_index.dtype) * N)
    src = (edge_index[0][None, :] + offsets[:, None]).reshape(-1)
    dst = (edge_index[1][None, :] + offsets[:, None]).reshape(-1)
    ew = jnp.tile(edge_weight, batch)
    num_total = batch * N
    gru_inputs = []
    for t in range(T):
        xt = x[:, :, t, :].reshape(-1, F)
        g = _gcn_conv(xt, src, dst, ew, W_gcn, b_gcn, num_total)
        g = jax.nn.relu(g)
        gru_inputs.append(g.reshape(batch, N, GCN_H))
    seq = jnp.stack(gru_inputs, axis=1)            # (B, T, N, H)
    seq = seq.transpose(0, 2, 1, 3).reshape(batch * N, T, GCN_H)

    def cell(h, xt):
        gi = xt @ W_ih.T + b_ih
        gh = h @ W_hh.T + b_hh
        i_r, i_z, i_n = jnp.split(gi, 3, axis=-1)
        h_r, h_z, h_n = jnp.split(gh, 3, axis=-1)
        r = jax.nn.sigmoid(i_r + h_r)
        z = jax.nn.sigmoid(i_z + h_z)
        n = jnp.tanh(i_n + r * h_n)
        hn = (1.0 - z) * n + z * h
        return hn, hn

    h0 = jnp.zeros((batch * N, GRU_H), dtype=x.dtype)
    hT, _ = jax.lax.scan(cell, h0, seq.transpose(1, 0, 2))
    # dropout is identity in eval mode
    pred = hT @ W_out.T + b_out
    pred = pred.reshape(batch, N, PRED, F)
    return pred[..., 0]  # squeeze since num_features == 1

if __name__ == "__main__":
    import jax
    _d = setup_inputs()
    print(jax.jit(kernel)(*tuple(_d.values())))

</pallas_src>

<mosaic_0001>
#map = affine_map<(d0, d1) -> (0)>
#map1 = affine_map<(d0, d1) -> (0, 0)>
module attributes {stable_mosaic.version = 14 : i64} {
  func.func @_deg_body(%arg0: i32, %arg1: i32, %arg2: memref<160000xi32, #tpu.memory_space<hbm>>, %arg3: memref<160000xf32, #tpu.memory_space<hbm>>, %arg4: memref<32x10240xf32, #tpu.memory_space<hbm>>, %arg5: memref<5000xi32, #tpu.memory_space<vmem>>, %arg6: memref<5000xf32, #tpu.memory_space<vmem>>, %arg7: memref<10240xf32, #tpu.memory_space<vmem>>, %arg8: memref<5000xi32, #tpu.memory_space<vmem>>, %arg9: memref<163840xf32, #tpu.memory_space<vmem_shared>>) attributes {dimension_semantics = [#tpu.dimension_semantics<core_parallel>, #tpu.dimension_semantics<subcore_parallel>], iteration_bounds = array<i64: 2, 16>, scalar_prefetch = 0 : i64, scratch_operands = 5 : i64, tpu.core_type = #tpu.core_type<sc_vector_subcore>, window_params = [{transform_indices = #map}, {transform_indices = #map}, {transform_indices = #map1}]} {
    %mul3A = arith.constant 16 : i32
    %mul3A_0 = arith.muli %arg0, %mul3A : i32
    %add3A = arith.addi %mul3A_0, %arg1 : i32
    %mul3A_1 = arith.constant 5000 : i32
    %mul3A_2 = arith.muli %add3A, %mul3A_1 : i32
    "tpu.region"() ({
      %run_scoped3A = tpu.sem_alloc : memref<!tpu.dma_semaphore, #tpu.memory_space<semaphore_mem>>
      %dma_start3A = tpu.memref_slice %arg2[%mul3A_2] : memref<160000xi32, #tpu.memory_space<hbm>> -> memref<5000xi32, #tpu.memory_space<hbm>>
      %dma_start3A_26 = tpu.memref_slice %arg2[%mul3A_2] : memref<160000xi32, #tpu.memory_space<hbm>> -> memref<5000xi32, #tpu.memory_space<hbm>>
      tpu.enqueue_dma source(%dma_start3A_26 : memref<5000xi32, #tpu.memory_space<hbm>>) target(%arg5 : memref<5000xi32, #tpu.memory_space<vmem>>) target_semaphore(%run_scoped3A : memref<!tpu.dma_semaphore, #tpu.memory_space<semaphore_mem>>)
      %dma_wait3A = tpu.memref_slice %arg2[%mul3A_2] : memref<160000xi32, #tpu.memory_space<hbm>> -> memref<5000xi32, #tpu.memory_space<hbm>>
      %dma_wait3A_27 = tpu.memref_slice %arg2[%mul3A_2] : memref<160000xi32, #tpu.memory_space<hbm>> -> memref<5000xi32, #tpu.memory_space<hbm>>
      tpu.wait_dma2 semaphore(%run_scoped3A : memref<!tpu.dma_semaphore, #tpu.memory_space<semaphore_mem>>) src(%dma_wait3A_27 : memref<5000xi32, #tpu.memory_space<hbm>>) dst(%arg5 : memref<5000xi32, #tpu.memory_space<vmem>>)
      tpu.yield
    }) : () -> ()
    "tpu.region"() ({
      %run_scoped3A = tpu.sem_alloc : memref<!tpu.dma_semaphore, #tpu.memory_space<semaphore_mem>>
      %dma_start3A = tpu.memref_slice %arg3[%mul3A_2] : memref<160000xf32, #tpu.memory_space<hbm>> -> memref<5000xf32, #tpu.memory_space<hbm>>
      %dma_start3A_26 = tpu.memref_slice %arg3[%mul3A_2] : memref<160000xf32, #tpu.memory_space<hbm>> -> memref<5000xf32, #tpu.memory_space<hbm>>
      tpu.enqueue_dma source(%dma_start3A_26 : memref<5000xf32, #tpu.memory_space<hbm>>) target(%arg6 : memref<5000xf32, #tpu.memory_space<vmem>>) target_semaphore(%run_scoped3A : memref<!tpu.dma_semaphore, #tpu.memory_space<semaphore_mem>>)
      %dma_wait3A = tpu.memref_slice %arg3[%mul3A_2] : memref<160000xf32, #tpu.memory_space<hbm>> -> memref<5000xf32, #tpu.memory_space<hbm>>
      %dma_wait3A_27 = tpu.memref_slice %arg3[%mul3A_2] : memref<160000xf32, #tpu.memory_space<hbm>> -> memref<5000xf32, #tpu.memory_space<hbm>>
      tpu.wait_dma2 semaphore(%run_scoped3A : memref<!tpu.dma_semaphore, #tpu.memory_space<semaphore_mem>>) src(%dma_wait3A_27 : memref<5000xf32, #tpu.memory_space<hbm>>) dst(%arg6 : memref<5000xf32, #tpu.memory_space<vmem>>)
      tpu.yield
    }) : () -> ()
    %scan3A = arith.constant 0 : i32
    %scan3A_3 = arith.constant 0 : i32
    %scan3A_4 = arith.constant 640 : i32
    %scan3A_5 = arith.addi %scan3A_3, %scan3A_4 : i32
    %scan3A_6 = arith.constant 1 : i32
    %scan3A_7 = scf.for %scan3A_26 = %scan3A_3 to %scan3A_5 step %scan3A_6 iter_args(%scan3A_27 = %scan3A) -> (i32)  : i32 {
      %broadcast_in_dim3A = arith.constant 0.000000e+00 : f32
      %broadcast_in_dim3A_28 = vector.broadcast %broadcast_in_dim3A : f32 to vector<16xf32>
      %mul3A_29 = arith.constant 16 : i32
      %mul3A_30 = arith.muli %scan3A_26, %mul3A_29 : i32
      %swap3A_31 = arith.index_cast %mul3A_30 : i32 to index
      %swap3A_32 = tpu.vector_load %arg7[%swap3A_31] {strides = array<i32>} : memref<10240xf32, #tpu.memory_space<vmem>>, vector<16xf32>,
      tpu.vector_store %arg7[%swap3A_31], %broadcast_in_dim3A_28 {strides = array<i32>} : memref<10240xf32, #tpu.memory_space<vmem>>, vector<16xf32>,
      %scan3A_33 = arith.constant 0 : i32
      scf.yield %scan3A_33 : i32
    }
    %scan3A_8 = arith.constant 640 : i32
    %mul3A_9 = arith.constant 10240 : i32
    %mul3A_10 = arith.muli %arg1, %mul3A_9 : i32
    "tpu.region"() ({
      %run_scoped3A = tpu.sem_alloc : memref<!tpu.dma_semaphore, #tpu.memory_space<semaphore_mem>>
      %dma_start3A = tpu.memref_slice %arg9[%mul3A_10] : memref<163840xf32, #tpu.memory_space<vmem_shared>> -> memref<10240xf32, #tpu.memory_space<vmem_shared>>
      %dma_start3A_26 = tpu.memref_slice %arg9[%mul3A_10] : memref<163840xf32, #tpu.memory_space<vmem_shared>> -> memref<10240xf32, #tpu.memory_space<vmem_shared>>
      tpu.enqueue_dma source(%arg7 : memref<10240xf32, #tpu.memory_space<vmem>>) target(%dma_start3A_26 : memref<10240xf32, #tpu.memory_space<vmem_shared>>) target_semaphore(%run_scoped3A : memref<!tpu.dma_semaphore, #tpu.memory_space<semaphore_mem>>)
      %dma_wait3A = tpu.memref_slice %arg9[%mul3A_10] : memref<163840xf32, #tpu.memory_space<vmem_shared>> -> memref<10240xf32, #tpu.memory_space<vmem_shared>>
      %dma_wait3A_27 = tpu.memref_slice %arg9[%mul3A_10] : memref<163840xf32, #tpu.memory_space<vmem_shared>> -> memref<10240xf32, #tpu.memory_space<vmem_shared>>
      tpu.wait_dma2 semaphore(%run_scoped3A : memref<!tpu.dma_semaphore, #tpu.memory_space<semaphore_mem>>) src(%arg7 : memref<10240xf32, #tpu.memory_space<vmem>>) dst(%dma_wait3A_27 : memref<10240xf32, #tpu.memory_space<vmem_shared>>)
      tpu.yield
    }) : () -> ()
    %mul3A_11 = arith.constant 10240 : i32
    %mul3A_12 = arith.muli %arg1, %mul3A_11 : i32
    %scan3A_13 = arith.constant 0 : i32
    %scan3A_14 = arith.constant 0 : i32
    %scan3A_15 = arith.constant 312 : i32
    %scan3A_16 = arith.addi %scan3A_14, %scan3A_15 : i32
    %scan3A_17 = arith.constant 1 : i32
    %scan3A_18 = scf.for %scan3A_26 = %scan3A_14 to %scan3A_16 step %scan3A_17 iter_args(%scan3A_27 = %scan3A_13) -> (i32)  : i32 {
      %mul3A_28 = arith.constant 16 : i32
      %mul3A_29 = arith.muli %scan3A_26, %mul3A_28 : i32
      %get3A_30 = arith.index_cast %mul3A_29 : i32 to index
      %get3A_31 = tpu.vector_load %arg5[%get3A_30] {strides = array<i32>} : memref<5000xi32, #tpu.memory_space<vmem>>, vector<16xi32>,
      %add3A_32 = vector.broadcast %mul3A_12 : i32 to vector<16xi32>
      %add3A_33 = arith.addi %get3A_31, %add3A_32 : vector<16xi32>
      %mul3A_34 = arith.constant 16 : i32
      %mul3A_35 = arith.muli %scan3A_26, %mul3A_34 : i32
      %swap3A_36 = arith.index_cast %mul3A_35 : i32 to index
      %swap3A_37 = tpu.vector_load %arg8[%swap3A_36] {strides = array<i32>} : memref<5000xi32, #tpu.memory_space<vmem>>, vector<16xi32>,
      tpu.vector_store %arg8[%swap3A_36], %add3A_33 {strides = array<i32>} : memref<5000xi32, #tpu.memory_space<vmem>>, vector<16xi32>,
      %scan3A_38 = arith.constant 0 : i32
      scf.yield %scan3A_38 : i32
    }
    %scan3A_19 = arith.constant 312 : i32
    %get3A = arith.constant 4984 : index
    %get3A_20 = tpu.vector_load %arg5[%get3A] {strides = array<i32>} : memref<5000xi32, #tpu.memory_space<vmem>>, vector<16xi32>,
    %add3A_21 = vector.broadcast %mul3A_12 : i32 to vector<16xi32>
    %add3A_22 = arith.addi %get3A_20, %add3A_21 : vector<16xi32>
    %swap3A = arith.constant 4984 : index
    %swap3A_23 = tpu.vector_load %arg8[%swap3A] {strides = array<i32>} : memref<5000xi32, #tpu.memory_space<vmem>>, vector<16xi32>,
    tpu.vector_store %arg8[%swap3A], %add3A_22 {strides = array<i32>} : memref<5000xi32, #tpu.memory_space<vmem>>, vector<16xi32>,
    "tpu.region"() ({
      %run_scoped3A = tpu.sem_alloc : memref<!tpu.dma_semaphore, #tpu.memory_space<semaphore_mem>>
      %dma_start3A = arith.constant 0 : i32
      %dma_start3A_26 = tpu.memref_slice %arg9[%dma_start3A] : memref<163840xf32, #tpu.memory_space<vmem_shared>> -> memref<163840xf32, #tpu.memory_space<vmem_shared>>
      tpu.enqueue_indirect_dma source(%arg6 : memref<5000xf32, #tpu.memory_space<vmem>>) target(%dma_start3A_26 : memref<163840xf32, #tpu.memory_space<vmem_shared>>) offsets(%arg8 : memref<5000xi32, #tpu.memory_space<vmem>>) semaphore(%run_scoped3A : memref<!tpu.dma_semaphore, #tpu.memory_space<semaphore_mem>>) {add = true}
      %dma_wait3A = arith.constant 0 : i32
      %dma_wait3A_27 = tpu.memref_slice %arg9[%dma_wait3A] : memref<163840xf32, #tpu.memory_space<vmem_shared>> -> memref<163840xf32, #tpu.memory_space<vmem_shared>>
      tpu.wait_indirect_dma semaphore(%run_scoped3A : memref<!tpu.dma_semaphore, #tpu.memory_space<semaphore_mem>>) src(%arg6 : memref<5000xf32, #tpu.memory_space<vmem>>) dst(%dma_wait3A_27 : memref<163840xf32, #tpu.memory_space<vmem_shared>>)
      tpu.yield
    }) : () -> ()
    %mul3A_24 = arith.constant 10240 : i32
    %mul3A_25 = arith.muli %arg1, %mul3A_24 : i32
    "tpu.region"() ({
      %run_scoped3A = tpu.sem_alloc : memref<!tpu.dma_semaphore, #tpu.memory_space<semaphore_mem>>
      %dma_start3A = tpu.memref_slice %arg9[%mul3A_25] : memref<163840xf32, #tpu.memory_space<vmem_shared>> -> memref<10240xf32, #tpu.memory_space<vmem_shared>>
      %dma_start3A_26 = tpu.memref_slice %arg9[%mul3A_25] : memref<163840xf32, #tpu.memory_space<vmem_shared>> -> memref<10240xf32, #tpu.memory_space<vmem_shared>>
      tpu.enqueue_dma source(%dma_start3A_26 : memref<10240xf32, #tpu.memory_space<vmem_shared>>) target(%arg7 : memref<10240xf32, #tpu.memory_space<vmem>>) target_semaphore(%run_scoped3A : memref<!tpu.dma_semaphore, #tpu.memory_space<semaphore_mem>>)
      %dma_wait3A = tpu.memref_slice %arg9[%mul3A_25] : memref<163840xf32, #tpu.memory_space<vmem_shared>> -> memref<10240xf32, #tpu.memory_space<vmem_shared>>
      %dma_wait3A_27 = tpu.memref_slice %arg9[%mul3A_25] : memref<163840xf32, #tpu.memory_space<vmem_shared>> -> memref<10240xf32, #tpu.memory_space<vmem_shared>>
      tpu.wait_dma2 semaphore(%run_scoped3A : memref<!tpu.dma_semaphore, #tpu.memory_space<semaphore_mem>>) src(%dma_wait3A_27 : memref<10240xf32, #tpu.memory_space<vmem_shared>>) dst(%arg7 : memref<10240xf32, #tpu.memory_space<vmem>>)
      tpu.yield
    }) : () -> ()
    "tpu.region"() ({
      %run_scoped3A = tpu.sem_alloc : memref<!tpu.dma_semaphore, #tpu.memory_space<semaphore_mem>>
      %dma_start3A = arith.constant 0 : i32
      %dma_start3A_26 = tpu.memref_slice %arg4[%add3A, %dma_start3A] : memref<32x10240xf32, #tpu.memory_space<hbm>> -> memref<1x10240xf32, #tpu.memory_space<hbm>>
      %dma_start3A_27 = tpu.memref_squeeze %dma_start3A_26 : memref<1x10240xf32, #tpu.memory_space<hbm>> -> memref<10240xf32, #tpu.memory_space<hbm>>
      %dma_start3A_28 = arith.constant 0 : i32
      %dma_start3A_29 = tpu.memref_slice %arg4[%add3A, %dma_start3A_28] : memref<32x10240xf32, #tpu.memory_space<hbm>> -> memref<1x10240xf32, #tpu.memory_space<hbm>>
      %dma_start3A_30 = tpu.memref_squeeze %dma_start3A_29 : memref<1x10240xf32, #tpu.memory_space<hbm>> -> memref<10240xf32, #tpu.memory_space<hbm>>
      tpu.enqueue_dma source(%arg7 : memref<10240xf32, #tpu.memory_space<vmem>>) target(%dma_start3A_30 : memref<10240xf32, #tpu.memory_space<hbm>>) target_semaphore(%run_scoped3A : memref<!tpu.dma_semaphore, #tpu.memory_space<semaphore_mem>>)
      %dma_wait3A = arith.constant 0 : i32
      %dma_wait3A_31 = tpu.memref_slice %arg4[%add3A, %dma_wait3A] : memref<32x10240xf32, #tpu.memory_space<hbm>> -> memref<1x10240xf32, #tpu.memory_space<hbm>>
      %dma_wait3A_32 = tpu.memref_squeeze %dma_wait3A_31 : memref<1x10240xf32, #tpu.memory_space<hbm>> -> memref<10240xf32, #tpu.memory_space<hbm>>
      %dma_wait3A_33 = arith.constant 0 : i32
      %dma_wait3A_34 = tpu.memref_slice %arg4[%add3A, %dma_wait3A_33] : memref<32x10240xf32, #tpu.memory_space<hbm>> -> memref<1x10240xf32, #tpu.memory_space<hbm>>
      %dma_wait3A_35 = tpu.memref_squeeze %dma_wait3A_34 : memref<1x10240xf32, #tpu.memory_space<hbm>> -> memref<10240xf32, #tpu.memory_space<hbm>>
      tpu.wait_dma2 semaphore(%run_scoped3A : memref<!tpu.dma_semaphore, #tpu.memory_space<semaphore_mem>>) src(%arg7 : memref<10240xf32, #tpu.memory_space<vmem>>) dst(%dma_wait3A_35 : memref<10240xf32, #tpu.memory_space<hbm>>)
      tpu.yield
    }) : () -> ()
    return
  }
}

#map = affine_map<(d0, d1) -> (0, 0)>
#map1 = affine_map<(d0, d1) -> (0)>
module attributes {stable_mosaic.version = 14 : i64} {
  func.func @_sconv_body(%arg0: i32, %arg1: i32, %arg2: memref<24x10000xf32, #tpu.memory_space<hbm>>, %arg3: memref<2x10240xf32, #tpu.memory_space<hbm>>, %arg4: memref<160000xi32, #tpu.memory_space<hbm>>, %arg5: memref<160000xi32, #tpu.memory_space<hbm>>, %arg6: memref<160000xf32, #tpu.memory_space<hbm>>, %arg7: memref<32x10240xf32, #tpu.memory_space<hbm>>, %arg8: memref<10240xf32, #tpu.memory_space<vmem>>, %arg9: memref<10240xf32, #tpu.memory_space<vmem>>, %arg10: memref<10240xf32, #tpu.memory_space<vmem>>, %arg11: memref<8000xi32, #tpu.memory_space<vmem>>, %arg12: memref<8000xi32, #tpu.memory_space<vmem>>, %arg13: memref<8000xf32, #tpu.memory_space<vmem>>, %arg14: memref<8000xi32, #tpu.memory_space<vmem>>, %arg15: memref<8000xi32, #tpu.memory_space<vmem>>, %arg16: memref<8000xf32, #tpu.memory_space<vmem>>, %arg17: memref<8000xf32, #tpu.memory_space<vmem>>, %arg18: memref<8000xi32, #tpu.memory_space<vmem>>, %arg19: memref<8000xf32, #tpu.memory_space<vmem>>, %arg20: memref<8000xi32, #tpu.memory_space<vmem>>, %arg21: memref<!tpu.dma_semaphore, #tpu.memory_space<semaphore_mem>>, %arg22: memref<!tpu.dma_semaphore, #tpu.memory_space<semaphore_mem>>, %arg23: memref<!tpu.dma_semaphore, #tpu.memory_space<semaphore_mem>>, %arg24: memref<!tpu.dma_semaphore, #tpu.memory_space<semaphore_mem>>, %arg25: memref<122880xf32, #tpu.memory_space<vmem_shared>>) attributes {dimension_semantics = [#tpu.dimension_semantics<core_parallel>, #tpu.dimension_semantics<subcore_parallel>], iteration_bounds = array<i64: 2, 16>, scalar_prefetch = 0 : i64, scratch_operands = 18 : i64, tpu.core_type = #tpu.core_type<sc_vector_subcore>, window_params = [{transform_indices = #map}, {transform_indices = #map}, {transform_indices = #map1}, {transform_indices = #map1}, {transform_indices = #map1}, {transform_indices = #map}]} {
    %lt3A = arith.constant 12 : i32
    %lt3A_0 = arith.cmpi slt, %arg1, %lt3A : i32
    %convert_element_type3A = arith.extui %lt3A_0 : i1 to i32
    %cond3A = arith.constant 0 : i32
    %cond3A_1 = arith.cmpi ne, %convert_element_type3A, %cond3A : i32
    scf.if %cond3A_1 {
      %mul3A = arith.constant 12 : i32
      %mul3A_2 = arith.muli %arg0, %mul3A : i32
      %add3A = arith.addi %mul3A_2, %arg1 : i32
      "tpu.region"() ({
        %run_scoped3A_61 = tpu.sem_alloc : memref<!tpu.dma_semaphore, #tpu.memory_space<semaphore_mem>>
        %dma_start3A_62 = arith.constant 0 : i32
        %dma_start3A_63 = tpu.memref_slice %arg8[%dma_start3A_62] : memref<10240xf32, #tpu.memory_space<vmem>> -> memref<10000xf32, #tpu.memory_space<vmem>>
        %dma_start3A_64 = arith.constant 0 : i32
        %dma_start3A_65 = tpu.memref_slice %arg2[%add3A, %dma_start3A_64] : memref<24x10000xf32, #tpu.memory_space<hbm>> -> memref<1x10000xf32, #tpu.memory_space<hbm>>
        %dma_start3A_66 = tpu.memref_squeeze %dma_start3A_65 : memref<1x10000xf32, #tpu.memory_space<hbm>> -> memref<10000xf32, #tpu.memory_space<hbm>>
        %dma_start3A_67 = arith.constant 0 : i32
        %dma_start3A_68 = tpu.memref_slice %arg8[%dma_start3A_67] : memref<10240xf32, #tpu.memory_space<vmem>> -> memref<10000xf32, #tpu.memory_space<vmem>>
        %dma_start3A_69 = arith.constant 0 : i32
        %dma_start3A_70 = tpu.memref_slice %arg2[%add3A, %dma_start3A_69] : memref<24x10000xf32, #tpu.memory_space<hbm>> -> memref<1x10000xf32, #tpu.memory_space<hbm>>
        %dma_start3A_71 = tpu.memref_squeeze %dma_start3A_70 : memref<1x10000xf32, #tpu.memory_space<hbm>> -> memref<10000xf32, #tpu.memory_space<hbm>>
        tpu.enqueue_dma source(%dma_start3A_71 : memref<10000xf32, #tpu.memory_space<hbm>>) target(%dma_start3A_68 : memref<10000xf32, #tpu.memory_space<vmem>>) target_semaphore(%run_scoped3A_61 : memref<!tpu.dma_semaphore, #tpu.memory_space<semaphore_mem>>)
        %dma_wait3A_72 = arith.constant 0 : i32
        %dma_wait3A_73 = tpu.memref_slice %arg8[%dma_wait3A_72] : memref<10240xf32, #tpu.memory_space<vmem>> -> memref<10000xf32, #tpu.memory_space<vmem>>
        %dma_wait3A_74 = arith.constant 0 : i32
        %dma_wait3A_75 = tpu.memref_slice %arg2[%add3A, %dma_wait3A_74] : memref<24x10000xf32, #tpu.memory_space<hbm>> -> memref<1x10000xf32, #tpu.memory_space<hbm>>
        %dma_wait3A_76 = tpu.memref_squeeze %dma_wait3A_75 : memref<1x10000xf32, #tpu.memory_space<hbm>> -> memref<10000xf32, #tpu.memory_space<hbm>>
        %dma_wait3A_77 = arith.constant 0 : i32
        %dma_wait3A_78 = tpu.memref_slice %arg8[%dma_wait3A_77] : memref<10240xf32, #tpu.memory_space<vmem>> -> memref<10000xf32, #tpu.memory_space<vmem>>
        %dma_wait3A_79 = arith.constant 0 : i32
        %dma_wait3A_80 = tpu.memref_slice %arg2[%add3A, %dma_wait3A_79] : memref<24x10000xf32, #tpu.memory_space<hbm>> -> memref<1x10000xf32, #tpu.memory_space<hbm>>
        %dma_wait3A_81 = tpu.memref_squeeze %dma_wait3A_80 : memref<1x10000xf32, #tpu.memory_space<hbm>> -> memref<10000xf32, #tpu.memory_space<hbm>>
        tpu.wait_dma2 semaphore(%run_scoped3A_61 : memref<!tpu.dma_semaphore, #tpu.memory_space<semaphore_mem>>) src(%dma_wait3A_81 : memref<10000xf32, #tpu.memory_space<hbm>>) dst(%dma_wait3A_78 : memref<10000xf32, #tpu.memory_space<vmem>>)
        tpu.yield
      }) : () -> ()
      %scan3A = arith.constant 0 : i32
      %scan3A_3 = arith.constant 0 : i32
      %scan3A_4 = arith.constant 15 : i32
      %scan3A_5 = arith.addi %scan3A_3, %scan3A_4 : i32
      %scan3A_6 = arith.constant 1 : i32
      %scan3A_7 = scf.for %scan3A_61 = %scan3A_3 to %scan3A_5 step %scan3A_6 iter_args(%scan3A_62 = %scan3A) -> (i32)  : i32 {
        %broadcast_in_dim3A = arith.constant 0.000000e+00 : f32
        %broadcast_in_dim3A_63 = vector.broadcast %broadcast_in_dim3A : f32 to vector<16xf32>
        %mul3A_64 = arith.constant 16 : i32
        %mul3A_65 = arith.muli %scan3A_61, %mul3A_64 : i32
        %add3A_66 = arith.constant 10000 : i32
        %add3A_67 = arith.addi %add3A_66, %mul3A_65 : i32
        %swap3A = arith.index_cast %add3A_67 : i32 to index
        %swap3A_68 = tpu.vector_load %arg8[%swap3A] {strides = array<i32>} : memref<10240xf32, #tpu.memory_space<vmem>>, vector<16xf32>,
        tpu.vector_store %arg8[%swap3A], %broadcast_in_dim3A_63 {strides = array<i32>} : memref<10240xf32, #tpu.memory_space<vmem>>, vector<16xf32>,
        %scan3A_69 = arith.constant 0 : i32
        scf.yield %scan3A_69 : i32
      }
      %scan3A_8 = arith.constant 15 : i32
      %run_scoped3A = arith.constant 0 : i32
      "tpu.region"() ({
        %run_scoped3A_61 = tpu.sem_alloc : memref<!tpu.dma_semaphore, #tpu.memory_space<semaphore_mem>>
        %dma_start3A_62 = arith.constant 0 : i32
        %dma_start3A_63 = tpu.memref_slice %arg3[%run_scoped3A, %dma_start3A_62] : memref<2x10240xf32, #tpu.memory_space<hbm>> -> memref<1x10240xf32, #tpu.memory_space<hbm>>
        %dma_start3A_64 = tpu.memref_squeeze %dma_start3A_63 : memref<1x10240xf32, #tpu.memory_space<hbm>> -> memref<10240xf32, #tpu.memory_space<hbm>>
        %dma_start3A_65 = arith.constant 0 : i32
        %dma_start3A_66 = tpu.memref_slice %arg3[%run_scoped3A, %dma_start3A_65] : memref<2x10240xf32, #tpu.memory_space<hbm>> -> memref<1x10240xf32, #tpu.memory_space<hbm>>
        %dma_start3A_67 = tpu.memref_squeeze %dma_start3A_66 : memref<1x10240xf32, #tpu.memory_space<hbm>> -> memref<10240xf32, #tpu.memory_space<hbm>>
        tpu.enqueue_dma source(%dma_start3A_67 : memref<10240xf32, #tpu.memory_space<hbm>>) target(%arg9 : memref<10240xf32, #tpu.memory_space<vmem>>) target_semaphore(%run_scoped3A_61 : memref<!tpu.dma_semaphore, #tpu.memory_space<semaphore_mem>>)
        %dma_wait3A_68 = arith.constant 0 : i32
        %dma_wait3A_69 = tpu.memref_slice %arg3[%run_scoped3A, %dma_wait3A_68] : memref<2x10240xf32, #tpu.memory_space<hbm>> -> memref<1x10240xf32, #tpu.memory_space<hbm>>
        %dma_wait3A_70 = tpu.memref_squeeze %dma_wait3A_69 : memref<1x10240xf32, #tpu.memory_space<hbm>> -> memref<10240xf32, #tpu.memory_space<hbm>>
        %dma_wait3A_71 = arith.constant 0 : i32
        %dma_wait3A_72 = tpu.memref_slice %arg3[%run_scoped3A, %dma_wait3A_71] : memref<2x10240xf32, #tpu.memory_space<hbm>> -> memref<1x10240xf32, #tpu.memory_space<hbm>>
        %dma_wait3A_73 = tpu.memref_squeeze %dma_wait3A_72 : memref<1x10240xf32, #tpu.memory_space<hbm>> -> memref<10240xf32, #tpu.memory_space<hbm>>
        tpu.wait_dma2 semaphore(%run_scoped3A_61 : memref<!tpu.dma_semaphore, #tpu.memory_space<semaphore_mem>>) src(%dma_wait3A_73 : memref<10240xf32, #tpu.memory_space<hbm>>) dst(%arg9 : memref<10240xf32, #tpu.memory_space<vmem>>)
        tpu.yield
      }) : () -> ()
      %scan3A_9 = arith.constant 0 : i32
      %scan3A_10 = arith.constant 0 : i32
      %scan3A_11 = arith.constant 640 : i32
      %scan3A_12 = arith.addi %scan3A_10, %scan3A_11 : i32
      %scan3A_13 = arith.constant 1 : i32
      %scan3A_14 = scf.for %scan3A_61 = %scan3A_10 to %scan3A_12 step %scan3A_13 iter_args(%scan3A_62 = %scan3A_9) -> (i32)  : i32 {
        %mul3A_63 = arith.constant 16 : i32
        %mul3A_64 = arith.muli %scan3A_61, %mul3A_63 : i32
        %get3A = arith.index_cast %mul3A_64 : i32 to index
        %get3A_65 = tpu.vector_load %arg9[%get3A] {strides = array<i32>} : memref<10240xf32, #tpu.memory_space<vmem>>, vector<16xf32>,
        %mul3A_66 = arith.constant 16 : i32
        %mul3A_67 = arith.muli %scan3A_61, %mul3A_66 : i32
        %get3A_68 = arith.index_cast %mul3A_67 : i32 to index
        %get3A_69 = tpu.vector_load %arg8[%get3A_68] {strides = array<i32>} : memref<10240xf32, #tpu.memory_space<vmem>>, vector<16xf32>,
        %mul3A_70 = arith.mulf %get3A_65, %get3A_69 : vector<16xf32>
        %mul3A_71 = arith.constant 16 : i32
        %mul3A_72 = arith.muli %scan3A_61, %mul3A_71 : i32
        %swap3A = arith.index_cast %mul3A_72 : i32 to index
        %swap3A_73 = tpu.vector_load %arg8[%swap3A] {strides = array<i32>} : memref<10240xf32, #tpu.memory_space<vmem>>, vector<16xf32>,
        tpu.vector_store %arg8[%swap3A], %mul3A_70 {strides = array<i32>} : memref<10240xf32, #tpu.memory_space<vmem>>, vector<16xf32>,
        %scan3A_74 = arith.constant 0 : i32
        scf.yield %scan3A_74 : i32
      }
      %scan3A_15 = arith.constant 640 : i32
      %mul3A_16 = arith.constant 10240 : i32
      %mul3A_17 = arith.muli %arg1, %mul3A_16 : i32
      "tpu.region"() ({
        %run_scoped3A_61 = tpu.sem_alloc : memref<!tpu.dma_semaphore, #tpu.memory_space<semaphore_mem>>
        %dma_start3A_62 = tpu.memref_slice %arg25[%mul3A_17] : memref<122880xf32, #tpu.memory_space<vmem_shared>> -> memref<10240xf32, #tpu.memory_space<vmem_shared>>
        %dma_start3A_63 = tpu.memref_slice %arg25[%mul3A_17] : memref<122880xf32, #tpu.memory_space<vmem_shared>> -> memref<10240xf32, #tpu.memory_space<vmem_shared>>
        tpu.enqueue_dma source(%arg8 : memref<10240xf32, #tpu.memory_space<vmem>>) target(%dma_start3A_63 : memref<10240xf32, #tpu.memory_space<vmem_shared>>) target_semaphore(%run_scoped3A_61 : memref<!tpu.dma_semaphore, #tpu.memory_space<semaphore_mem>>)
        %dma_wait3A_64 = tpu.memref_slice %arg25[%mul3A_17] : memref<122880xf32, #tpu.memory_space<vmem_shared>> -> memref<10240xf32, #tpu.memory_space<vmem_shared>>
        %dma_wait3A_65 = tpu.memref_slice %arg25[%mul3A_17] : memref<122880xf32, #tpu.memory_space<vmem_shared>> -> memref<10240xf32, #tpu.memory_space<vmem_shared>>
        tpu.wait_dma2 semaphore(%run_scoped3A_61 : memref<!tpu.dma_semaphore, #tpu.memory_space<semaphore_mem>>) src(%arg8 : memref<10240xf32, #tpu.memory_space<vmem>>) dst(%dma_wait3A_65 : memref<10240xf32, #tpu.memory_space<vmem_shared>>)
        tpu.yield
      }) : () -> ()
      %dma_start3A = arith.constant 0 : i32
      %dma_start3A_18 = tpu.memref_slice %arg4[%dma_start3A] : memref<160000xi32, #tpu.memory_space<hbm>> -> memref<8000xi32, #tpu.memory_space<hbm>>
      %dma_start3A_19 = arith.constant 0 : i32
      %dma_start3A_20 = tpu.memref_slice %arg4[%dma_start3A_19] : memref<160000xi32, #tpu.memory_space<hbm>> -> memref<8000xi32, #tpu.memory_space<hbm>>
      tpu.enqueue_dma source(%dma_start3A_20 : memref<8000xi32, #tpu.memory_space<hbm>>) target(%arg11 : memref<8000xi32, #tpu.memory_space<vmem>>) target_semaphore(%arg21 : memref<!tpu.dma_semaphore, #tpu.memory_space<semaphore_mem>>)
      %dma_start3A_21 = arith.constant 0 : i32
      %dma_start3A_22 = tpu.memref_slice %arg5[%dma_start3A_21] : memref<160000xi32, #tpu.memory_space<hbm>> -> memref<8000xi32, #tpu.memory_space<hbm>>
      %dma_start3A_23 = arith.constant 0 : i32
      %dma_start3A_24 = tpu.memref_slice %arg5[%dma_start3A_23] : memref<160000xi32, #tpu.memory_space<hbm>> -> memref<8000xi32, #tpu.memory_space<hbm>>
      tpu.enqueue_dma source(%dma_start3A_24 : memref<8000xi32, #tpu.memory_space<hbm>>) target(%arg12 : memref<8000xi32, #tpu.memory_space<vmem>>) target_semaphore(%arg21 : memref<!tpu.dma_semaphore, #tpu.memory_space<semaphore_mem>>)
      %dma_start3A_25 = arith.constant 0 : i32
      %dma_start3A_26 = tpu.memref_slice %arg6[%dma_start3A_25] : memref<160000xf32, #tpu.memory_space<hbm>> -> memref<8000xf32, #tpu.memory_space<hbm>>
      %dma_start3A_27 = arith.constant 0 : i32
      %dma_start3A_28 = tpu.memref_slice %arg6[%dma_start3A_27] : memref<160000xf32, #tpu.memory_space<hbm>> -> memref<8000xf32, #tpu.memory_space<hbm>>
      tpu.enqueue_dma source(%dma_start3A_28 : memref<8000xf32, #tpu.memory_space<hbm>>) target(%arg13 : memref<8000xf32, #tpu.memory_space<vmem>>) target_semaphore(%arg21 : memref<!tpu.dma_semaphore, #tpu.memory_space<semaphore_mem>>)
      %dma_start3A_29 = arith.constant 8000 : i32
      %dma_start3A_30 = tpu.memref_slice %arg4[%dma_start3A_29] : memref<160000xi32, #tpu.memory_space<hbm>> -> memref<8000xi32, #tpu.memory_space<hbm>>
      %dma_start3A_31 = arith.constant 8000 : i32
      %dma_start3A_32 = tpu.memref_slice %arg4[%dma_start3A_31] : memref<160000xi32, #tpu.memory_space<hbm>> -> memref<8000xi32, #tpu.memory_space<hbm>>
      tpu.enqueue_dma source(%dma_start3A_32 : memref<8000xi32, #tpu.memory_space<hbm>>) target(%arg14 : memref<8000xi32, #tpu.memory_space<vmem>>) target_semaphore(%arg22 : memref<!tpu.dma_semaphore, #tpu.memory_space<semaphore_mem>>)
      %dma_start3A_33 = arith.constant 8000 : i32
      %dma_start3A_34 = tpu.memref_slice %arg5[%dma_start3A_33] : memref<160000xi32, #tpu.memory_space<hbm>> -> memref<8000xi32, #tpu.memory_space<hbm>>
      %dma_start3A_35 = arith.constant 8000 : i32
      %dma_start3A_36 = tpu.memref_slice %arg5[%dma_start3A_35] : memref<160000xi32, #tpu.memory_space<hbm>> -> memref<8000xi32, #tpu.memory_space<hbm>>
      tpu.enqueue_dma source(%dma_start3A_36 : memref<8000xi32, #tpu.memory_space<hbm>>) target(%arg15 : memref<8000xi32, #tpu.memory_space<vmem>>) target_semaphore(%arg22 : memref<!tpu.dma_semaphore, #tpu.memory_space<semaphore_mem>>)
      %dma_start3A_37 = arith.constant 8000 : i32
      %dma_start3A_38 = tpu.memref_slice %arg6[%dma_start3A_37] : memref<160000xf32, #tpu.memory_space<hbm>> -> memref<8000xf32, #tpu.memory_space<hbm>>
      %dma_start3A_39 = arith.constant 8000 : i32
      %dma_start3A_40 = tpu.memref_slice %arg6[%dma_start3A_39] : memref<160000xf32, #tpu.memory_space<hbm>> -> memref<8000xf32, #tpu.memory_space<hbm>>
      tpu.enqueue_dma source(%dma_start3A_40 : memref<8000xf32, #tpu.memory_space<hbm>>) target(%arg16 : memref<8000xf32, #tpu.memory_space<vmem>>) target_semaphore(%arg22 : memref<!tpu.dma_semaphore, #tpu.memory_space<semaphore_mem>>)
      %scan3A_41 = arith.constant 0 : i32
      %scan3A_42 = arith.constant 0 : i32
      %scan3A_43 = arith.constant 10 : i32
      %scan3A_44 = arith.addi %scan3A_42, %scan3A_43 : i32
      %scan3A_45 = arith.constant 1 : i32
      %scan3A_46 = scf.for %scan3A_61 = %scan3A_42 to %scan3A_44 step %scan3A_45 iter_args(%scan3A_62 = %scan3A_41) -> (i32)  : i32 {
        %mul3A_63 = arith.constant 2 : i32
        %mul3A_64 = arith.muli %scan3A_61, %mul3A_63 : i32
        %add3A_65 = arith.constant 0 : i32
        %add3A_66 = arith.addi %mul3A_64, %add3A_65 : i32
        %mul3A_67 = arith.constant 8000 : i32
        %mul3A_68 = arith.muli %add3A_66, %mul3A_67 : i32
        %dma_wait3A_69 = tpu.memref_slice %arg4[%mul3A_68] : memref<160000xi32, #tpu.memory_space<hbm>> -> memref<8000xi32, #tpu.memory_space<hbm>>
        %dma_wait3A_70 = tpu.memref_slice %arg4[%mul3A_68] : memref<160000xi32, #tpu.memory_space<hbm>> -> memref<8000xi32, #tpu.memory_space<hbm>>
        tpu.wait_dma2 semaphore(%arg21 : memref<!tpu.dma_semaphore, #tpu.memory_space<semaphore_mem>>) src(%dma_wait3A_70 : memref<8000xi32, #tpu.memory_space<hbm>>) dst(%arg11 : memref<8000xi32, #tpu.memory_space<vmem>>)
        %dma_wait3A_71 = tpu.memref_slice %arg5[%mul3A_68] : memref<160000xi32, #tpu.memory_space<hbm>> -> memref<8000xi32, #tpu.memory_space<hbm>>
        %dma_wait3A_72 = tpu.memref_slice %arg5[%mul3A_68] : memref<160000xi32, #tpu.memory_space<hbm>> -> memref<8000xi32, #tpu.memory_space<hbm>>
        tpu.wait_dma2 semaphore(%arg21 : memref<!tpu.dma_semaphore, #tpu.memory_space<semaphore_mem>>) src(%dma_wait3A_72 : memref<8000xi32, #tpu.memory_space<hbm>>) dst(%arg12 : memref<8000xi32, #tpu.memory_space<vmem>>)
        %dma_wait3A_73 = tpu.memref_slice %arg6[%mul3A_68] : memref<160000xf32, #tpu.memory_space<hbm>> -> memref<8000xf32, #tpu.memory_space<hbm>>
        %dma_wait3A_74 = tpu.memref_slice %arg6[%mul3A_68] : memref<160000xf32, #tpu.memory_space<hbm>> -> memref<8000xf32, #tpu.memory_space<hbm>>
        tpu.wait_dma2 semaphore(%arg21 : memref<!tpu.dma_semaphore, #tpu.memory_space<semaphore_mem>>) src(%dma_wait3A_74 : memref<8000xf32, #tpu.memory_space<hbm>>) dst(%arg13 : memref<8000xf32, #tpu.memory_space<vmem>>)
        %ge3A = arith.constant 2 : i32
        %ge3A_75 = arith.cmpi sge, %add3A_66, %ge3A : i32
        %convert_element_type3A_76 = arith.extui %ge3A_75 : i1 to i32
        %cond3A_77 = arith.constant 0 : i32
        %cond3A_78 = arith.cmpi ne, %convert_element_type3A_76, %cond3A_77 : i32
        scf.if %cond3A_78 {
          %dma_wait3A_129 = arith.constant 0 : i32
          %dma_wait3A_130 = tpu.memref_slice %arg25[%dma_wait3A_129] : memref<122880xf32, #tpu.memory_space<vmem_shared>> -> memref<122880xf32, #tpu.memory_space<vmem_shared>>
          tpu.wait_indirect_dma semaphore(%arg23 : memref<!tpu.dma_semaphore, #tpu.memory_space<semaphore_mem>>) src(%arg17 : memref<8000xf32, #tpu.memory_space<vmem>>) dst(%dma_wait3A_130 : memref<122880xf32, #tpu.memory_space<vmem_shared>>)
        } else {
        }
        %scan3A_79 = arith.constant 0 : i32
        %scan3A_80 = arith.constant 0 : i32
        %scan3A_81 = arith.constant 125 : i32
        %scan3A_82 = arith.addi %scan3A_80, %scan3A_81 : i32
        %scan3A_83 = arith.constant 1 : i32
        %scan3A_84 = scf.for %scan3A_129 = %scan3A_80 to %scan3A_82 step %scan3A_83 iter_args(%scan3A_130 = %scan3A_79) -> (i32)  : i32 {
          %mul3A_131 = arith.constant 4 : i32
          %mul3A_132 = arith.muli %scan3A_129, %mul3A_131 : i32
          %add3A_133 = arith.constant 0 : i32
          %add3A_134 = arith.addi %mul3A_132, %add3A_133 : i32
          %mul3A_135 = arith.constant 16 : i32
          %mul3A_136 = arith.muli %add3A_134, %mul3A_135 : i32
          %get3A = arith.index_cast %mul3A_136 : i32 to index
          %get3A_137 = tpu.vector_load %arg11[%get3A] {strides = array<i32>} : memref<8000xi32, #tpu.memory_space<vmem>>, vector<16xi32>,
          %get3A_138 = arith.index_cast %mul3A_136 : i32 to index
          %get3A_139 = tpu.vector_load %arg12[%get3A_138] {strides = array<i32>} : memref<8000xi32, #tpu.memory_space<vmem>>, vector<16xi32>,
          %get3A_140 = arith.index_cast %mul3A_136 : i32 to index
          %get3A_141 = tpu.vector_load %arg13[%get3A_140] {strides = array<i32>} : memref<8000xf32, #tpu.memory_space<vmem>>, vector<16xf32>,
          %gather3A = tpu.vector_load_idx %arg8[%get3A_137] : memref<10240xf32, #tpu.memory_space<vmem>>[vector<16xi32>], vector<16xf32>,
          %mul3A_142 = arith.mulf %gather3A, %get3A_141 : vector<16xf32>
          %swap3A = arith.index_cast %mul3A_136 : i32 to index
          %swap3A_143 = tpu.vector_load %arg17[%swap3A] {strides = array<i32>} : memref<8000xf32, #tpu.memory_space<vmem>>, vector<16xf32>,
          tpu.vector_store %arg17[%swap3A], %mul3A_142 {strides = array<i32>} : memref<8000xf32, #tpu.memory_space<vmem>>, vector<16xf32>,
          %add3A_144 = vector.broadcast %mul3A_17 : i32 to vector<16xi32>
          %add3A_145 = arith.addi %get3A_139, %add3A_144 : vector<16xi32>
          %swap3A_146 = arith.index_cast %mul3A_136 : i32 to index
          %swap3A_147 = tpu.vector_load %arg18[%swap3A_146] {strides = array<i32>} : memref<8000xi32, #tpu.memory_space<vmem>>, vector<16xi32>,
          tpu.vector_store %arg18[%swap3A_146], %add3A_145 {strides = array<i32>} : memref<8000xi32, #tpu.memory_space<vmem>>, vector<16xi32>,
          %mul3A_148 = arith.constant 4 : i32
          %mul3A_149 = arith.muli %scan3A_129, %mul3A_148 : i32
          %add3A_150 = arith.constant 1 : i32
          %add3A_151 = arith.addi %mul3A_149, %add3A_150 : i32
          %mul3A_152 = arith.constant 16 : i32
          %mul3A_153 = arith.muli %add3A_151, %mul3A_152 : i32
          %get3A_154 = arith.index_cast %mul3A_153 : i32 to index
          %get3A_155 = tpu.vector_load %arg11[%get3A_154] {strides = array<i32>} : memref<8000xi32, #tpu.memory_space<vmem>>, vector<16xi32>,
          %get3A_156 = arith.index_cast %mul3A_153 : i32 to index
          %get3A_157 = tpu.vector_load %arg12[%get3A_156] {strides = array<i32>} : memref<8000xi32, #tpu.memory_space<vmem>>, vector<16xi32>,
          %get3A_158 = arith.index_cast %mul3A_153 : i32 to index
          %get3A_159 = tpu.vector_load %arg13[%get3A_158] {strides = array<i32>} : memref<8000xf32, #tpu.memory_space<vmem>>, vector<16xf32>,
          %gather3A_160 = tpu.vector_load_idx %arg8[%get3A_155] : memref<10240xf32, #tpu.memory_space<vmem>>[vector<16xi32>], vector<16xf32>,
          %mul3A_161 = arith.mulf %gather3A_160, %get3A_159 : vector<16xf32>
          %swap3A_162 = arith.index_cast %mul3A_153 : i32 to index
          %swap3A_163 = tpu.vector_load %arg17[%swap3A_162] {strides = array<i32>} : memref<8000xf32, #tpu.memory_space<vmem>>, vector<16xf32>,
          tpu.vector_store %arg17[%swap3A_162], %mul3A_161 {strides = array<i32>} : memref<8000xf32, #tpu.memory_space<vmem>>, vector<16xf32>,
          %add3A_164 = vector.broadcast %mul3A_17 : i32 to vector<16xi32>
          %add3A_165 = arith.addi %get3A_157, %add3A_164 : vector<16xi32>
          %swap3A_166 = arith.index_cast %mul3A_153 : i32 to index
          %swap3A_167 = tpu.vector_load %arg18[%swap3A_166] {strides = array<i32>} : memref<8000xi32, #tpu.memory_space<vmem>>, vector<16xi32>,
          tpu.vector_store %arg18[%swap3A_166], %add3A_165 {strides = array<i32>} : memref<8000xi32, #tpu.memory_space<vmem>>, vector<16xi32>,
          %mul3A_168 = arith.constant 4 : i32
          %mul3A_169 = arith.muli %scan3A_129, %mul3A_168 : i32
          %add3A_170 = arith.constant 2 : i32
          %add3A_171 = arith.addi %mul3A_169, %add3A_170 : i32
          %mul3A_172 = arith.constant 16 : i32
          %mul3A_173 = arith.muli %add3A_171, %mul3A_172 : i32
          %get3A_174 = arith.index_cast %mul3A_173 : i32 to index
          %get3A_175 = tpu.vector_load %arg11[%get3A_174] {strides = array<i32>} : memref<8000xi32, #tpu.memory_space<vmem>>, vector<16xi32>,
          %get3A_176 = arith.index_cast %mul3A_173 : i32 to index
          %get3A_177 = tpu.vector_load %arg12[%get3A_176] {strides = array<i32>} : memref<8000xi32, #tpu.memory_space<vmem>>, vector<16xi32>,
          %get3A_178 = arith.index_cast %mul3A_173 : i32 to index
          %get3A_179 = tpu.vector_load %arg13[%get3A_178] {strides = array<i32>} : memref<8000xf32, #tpu.memory_space<vmem>>, vector<16xf32>,
          %gather3A_180 = tpu.vector_load_idx %arg8[%get3A_175] : memref<10240xf32, #tpu.memory_space<vmem>>[vector<16xi32>], vector<16xf32>,
          %mul3A_181 = arith.mulf %gather3A_180, %get3A_179 : vector<16xf32>
          %swap3A_182 = arith.index_cast %mul3A_173 : i32 to index
          %swap3A_183 = tpu.vector_load %arg17[%swap3A_182] {strides = array<i32>} : memref<8000xf32, #tpu.memory_space<vmem>>, vector<16xf32>,
          tpu.vector_store %arg17[%swap3A_182], %mul3A_181 {strides = array<i32>} : memref<8000xf32, #tpu.memory_space<vmem>>, vector<16xf32>,
          %add3A_184 = vector.broadcast %mul3A_17 : i32 to vector<16xi32>
          %add3A_185 = arith.addi %get3A_177, %add3A_184 : vector<16xi32>
          %swap3A_186 = arith.index_cast %mul3A_173 : i32 to index
          %swap3A_187 = tpu.vector_load %arg18[%swap3A_186] {strides = array<i32>} : memref<8000xi32, #tpu.memory_space<vmem>>, vector<16xi32>,
          tpu.vector_store %arg18[%swap3A_186], %add3A_185 {strides = array<i32>} : memref<8000xi32, #tpu.memory_space<vmem>>, vector<16xi32>,
          %mul3A_188 = arith.constant 4 : i32
          %mul3A_189 = arith.muli %scan3A_129, %mul3A_188 : i32
          %add3A_190 = arith.constant 3 : i32
          %add3A_191 = arith.addi %mul3A_189, %add3A_190 : i32
          %mul3A_192 = arith.constant 16 : i32
          %mul3A_193 = arith.muli %add3A_191, %mul3A_192 : i32
          %get3A_194 = arith.index_cast %mul3A_193 : i32 to index
          %get3A_195 = tpu.vector_load %arg11[%get3A_194] {strides = array<i32>} : memref<8000xi32, #tpu.memory_space<vmem>>, vector<16xi32>,
          %get3A_196 = arith.index_cast %mul3A_193 : i32 to index
          %get3A_197 = tpu.vector_load %arg12[%get3A_196] {strides = array<i32>} : memref<8000xi32, #tpu.memory_space<vmem>>, vector<16xi32>,
          %get3A_198 = arith.index_cast %mul3A_193 : i32 to index
          %get3A_199 = tpu.vector_load %arg13[%get3A_198] {strides = array<i32>} : memref<8000xf32, #tpu.memory_space<vmem>>, vector<16xf32>,
          %gather3A_200 = tpu.vector_load_idx %arg8[%get3A_195] : memref<10240xf32, #tpu.memory_space<vmem>>[vector<16xi32>], vector<16xf32>,
          %mul3A_201 = arith.mulf %gather3A_200, %get3A_199 : vector<16xf32>
          %swap3A_202 = arith.index_cast %mul3A_193 : i32 to index
          %swap3A_203 = tpu.vector_load %arg17[%swap3A_202] {strides = array<i32>} : memref<8000xf32, #tpu.memory_space<vmem>>, vector<16xf32>,
          tpu.vector_store %arg17[%swap3A_202], %mul3A_201 {strides = array<i32>} : memref<8000xf32, #tpu.memory_space<vmem>>, vector<16xf32>,
          %add3A_204 = vector.broadcast %mul3A_17 : i32 to vector<16xi32>
          %add3A_205 = arith.addi %get3A_197, %add3A_204 : vector<16xi32>
          %swap3A_206 = arith.index_cast %mul3A_193 : i32 to index
          %swap3A_207 = tpu.vector_load %arg18[%swap3A_206] {strides = array<i32>} : memref<8000xi32, #tpu.memory_space<vmem>>, vector<16xi32>,
          tpu.vector_store %arg18[%swap3A_206], %add3A_205 {strides = array<i32>} : memref<8000xi32, #tpu.memory_space<vmem>>, vector<16xi32>,
          %scan3A_208 = arith.constant 0 : i32
          scf.yield %scan3A_208 : i32
        }
        %scan3A_85 = arith.constant 125 : i32
        %add3A_86 = arith.constant 2 : i32
        %add3A_87 = arith.addi %add3A_66, %add3A_86 : i32
        %lt3A_88 = arith.constant 20 : i32
        %lt3A_89 = arith.cmpi slt, %add3A_87, %lt3A_88 : i32
        %convert_element_type3A_90 = arith.extui %lt3A_89 : i1 to i32
        %cond3A_91 = arith.constant 0 : i32
        %cond3A_92 = arith.cmpi ne, %convert_element_type3A_90, %cond3A_91 : i32
        scf.if %cond3A_92 {
          %add3A_129 = arith.constant 2 : i32
          %add3A_130 = arith.addi %add3A_66, %add3A_129 : i32
          %mul3A_131 = arith.constant 8000 : i32
          %mul3A_132 = arith.muli %add3A_130, %mul3A_131 : i32
          %dma_start3A_133 = tpu.memref_slice %arg4[%mul3A_132] : memref<160000xi32, #tpu.memory_space<hbm>> -> memref<8000xi32, #tpu.memory_space<hbm>>
          %dma_start3A_134 = tpu.memref_slice %arg4[%mul3A_132] : memref<160000xi32, #tpu.memory_space<hbm>> -> memref<8000xi32, #tpu.memory_space<hbm>>
          tpu.enqueue_dma source(%dma_start3A_134 : memref<8000xi32, #tpu.memory_space<hbm>>) target(%arg11 : memref<8000xi32, #tpu.memory_space<vmem>>) target_semaphore(%arg21 : memref<!tpu.dma_semaphore, #tpu.memory_space<semaphore_mem>>)
          %dma_start3A_135 = tpu.memref_slice %arg5[%mul3A_132] : memref<160000xi32, #tpu.memory_space<hbm>> -> memref<8000xi32, #tpu.memory_space<hbm>>
          %dma_start3A_136 = tpu.memref_slice %arg5[%mul3A_132] : memref<160000xi32, #tpu.memory_space<hbm>> -> memref<8000xi32, #tpu.memory_space<hbm>>
          tpu.enqueue_dma source(%dma_start3A_136 : memref<8000xi32, #tpu.memory_space<hbm>>) target(%arg12 : memref<8000xi32, #tpu.memory_space<vmem>>) target_semaphore(%arg21 : memref<!tpu.dma_semaphore, #tpu.memory_space<semaphore_mem>>)
          %dma_start3A_137 = tpu.memref_slice %arg6[%mul3A_132] : memref<160000xf32, #tpu.memory_space<hbm>> -> memref<8000xf32, #tpu.memory_space<hbm>>
          %dma_start3A_138 = tpu.memref_slice %arg6[%mul3A_132] : memref<160000xf32, #tpu.memory_space<hbm>> -> memref<8000xf32, #tpu.memory_space<hbm>>
          tpu.enqueue_dma source(%dma_start3A_138 : memref<8000xf32, #tpu.memory_space<hbm>>) target(%arg13 : memref<8000xf32, #tpu.memory_space<vmem>>) target_semaphore(%arg21 : memref<!tpu.dma_semaphore, #tpu.memory_space<semaphore_mem>>)
        } else {
        }
        %dma_start3A_93 = arith.constant 0 : i32
        %dma_start3A_94 = tpu.memref_slice %arg25[%dma_start3A_93] : memref<122880xf32, #tpu.memory_space<vmem_shared>> -> memref<122880xf32, #tpu.memory_space<vmem_shared>>
        tpu.enqueue_indirect_dma source(%arg17 : memref<8000xf32, #tpu.memory_space<vmem>>) target(%dma_start3A_94 : memref<122880xf32, #tpu.memory_space<vmem_shared>>) offsets(%arg18 : memref<8000xi32, #tpu.memory_space<vmem>>) semaphore(%arg23 : memref<!tpu.dma_semaphore, #tpu.memory_space<semaphore_mem>>) {add = true}
        %mul3A_95 = arith.constant 2 : i32
        %mul3A_96 = arith.muli %scan3A_61, %mul3A_95 : i32
        %add3A_97 = arith.constant 1 : i32
        %add3A_98 = arith.addi %mul3A_96, %add3A_97 : i32
        %mul3A_99 = arith.constant 8000 : i32
        %mul3A_100 = arith.muli %add3A_98, %mul3A_99 : i32
        %dma_wait3A_101 = tpu.memref_slice %arg4[%mul3A_100] : memref<160000xi32, #tpu.memory_space<hbm>> -> memref<8000xi32, #tpu.memory_space<hbm>>
        %dma_wait3A_102 = tpu.memref_slice %arg4[%mul3A_100] : memref<160000xi32, #tpu.memory_space<hbm>> -> memref<8000xi32, #tpu.memory_space<hbm>>
        tpu.wait_dma2 semaphore(%arg22 : memref<!tpu.dma_semaphore, #tpu.memory_space<semaphore_mem>>) src(%dma_wait3A_102 : memref<8000xi32, #tpu.memory_space<hbm>>) dst(%arg14 : memref<8000xi32, #tpu.memory_space<vmem>>)
        %dma_wait3A_103 = tpu.memref_slice %arg5[%mul3A_100] : memref<160000xi32, #tpu.memory_space<hbm>> -> memref<8000xi32, #tpu.memory_space<hbm>>
        %dma_wait3A_104 = tpu.memref_slice %arg5[%mul3A_100] : memref<160000xi32, #tpu.memory_space<hbm>> -> memref<8000xi32, #tpu.memory_space<hbm>>
        tpu.wait_dma2 semaphore(%arg22 : memref<!tpu.dma_semaphore, #tpu.memory_space<semaphore_mem>>) src(%dma_wait3A_104 : memref<8000xi32, #tpu.memory_space<hbm>>) dst(%arg15 : memref<8000xi32, #tpu.memory_space<vmem>>)
        %dma_wait3A_105 = tpu.memref_slice %arg6[%mul3A_100] : memref<160000xf32, #tpu.memory_space<hbm>> -> memref<8000xf32, #tpu.memory_space<hbm>>
        %dma_wait3A_106 = tpu.memref_slice %arg6[%mul3A_100] : memref<160000xf32, #tpu.memory_space<hbm>> -> memref<8000xf32, #tpu.memory_space<hbm>>
        tpu.wait_dma2 semaphore(%arg22 : memref<!tpu.dma_semaphore, #tpu.memory_space<semaphore_mem>>) src(%dma_wait3A_106 : memref<8000xf32, #tpu.memory_space<hbm>>) dst(%arg16 : memref<8000xf32, #tpu.memory_space<vmem>>)
        %ge3A_107 = arith.constant 2 : i32
        %ge3A_108 = arith.cmpi sge, %add3A_98, %ge3A_107 : i32
        %convert_element_type3A_109 = arith.extui %ge3A_108 : i1 to i32
        %cond3A_110 = arith.constant 0 : i32
        %cond3A_111 = arith.cmpi ne, %convert_element_type3A_109, %cond3A_110 : i32
        scf.if %cond3A_111 {
          %dma_wait3A_129 = arith.constant 0 : i32
          %dma_wait3A_130 = tpu.memref_slice %arg25[%dma_wait3A_129] : memref<122880xf32, #tpu.memory_space<vmem_shared>> -> memref<122880xf32, #tpu.memory_space<vmem_shared>>
          tpu.wait_indirect_dma semaphore(%arg24 : memref<!tpu.dma_semaphore, #tpu.memory_space<semaphore_mem>>) src(%arg19 : memref<8000xf32, #tpu.memory_space<vmem>>) dst(%dma_wait3A_130 : memref<122880xf32, #tpu.memory_space<vmem_shared>>)
        } else {
        }
        %scan3A_112 = arith.constant 0 : i32
        %scan3A_113 = arith.constant 0 : i32
        %scan3A_114 = arith.constant 125 : i32
        %scan3A_115 = arith.addi %scan3A_113, %scan3A_114 : i32
        %scan3A_116 = arith.constant 1 : i32
        %scan3A_117 = scf.for %scan3A_129 = %scan3A_113 to %scan3A_115 step %scan3A_116 iter_args(%scan3A_130 = %scan3A_112) -> (i32)  : i32 {
          %mul3A_131 = arith.constant 4 : i32
          %mul3A_132 = arith.muli %scan3A_129, %mul3A_131 : i32
          %add3A_133 = arith.constant 0 : i32
          %add3A_134 = arith.addi %mul3A_132, %add3A_133 : i32
          %mul3A_135 = arith.constant 16 : i32
          %mul3A_136 = arith.muli %add3A_134, %mul3A_135 : i32
          %get3A = arith.index_cast %mul3A_136 : i32 to index
          %get3A_137 = tpu.vector_load %arg14[%get3A] {strides = array<i32>} : memref<8000xi32, #tpu.memory_space<vmem>>, vector<16xi32>,
          %get3A_138 = arith.index_cast %mul3A_136 : i32 to index
          %get3A_139 = tpu.vector_load %arg15[%get3A_138] {strides = array<i32>} : memref<8000xi32, #tpu.memory_space<vmem>>, vector<16xi32>,
          %get3A_140 = arith.index_cast %mul3A_136 : i32 to index
          %get3A_141 = tpu.vector_load %arg16[%get3A_140] {strides = array<i32>} : memref<8000xf32, #tpu.memory_space<vmem>>, vector<16xf32>,
          %gather3A = tpu.vector_load_idx %arg8[%get3A_137] : memref<10240xf32, #tpu.memory_space<vmem>>[vector<16xi32>], vector<16xf32>,
          %mul3A_142 = arith.mulf %gather3A, %get3A_141 : vector<16xf32>
          %swap3A = arith.index_cast %mul3A_136 : i32 to index
          %swap3A_143 = tpu.vector_load %arg19[%swap3A] {strides = array<i32>} : memref<8000xf32, #tpu.memory_space<vmem>>, vector<16xf32>,
          tpu.vector_store %arg19[%swap3A], %mul3A_142 {strides = array<i32>} : memref<8000xf32, #tpu.memory_space<vmem>>, vector<16xf32>,
          %add3A_144 = vector.broadcast %mul3A_17 : i32 to vector<16xi32>
          %add3A_145 = arith.addi %get3A_139, %add3A_144 : vector<16xi32>
          %swap3A_146 = arith.index_cast %mul3A_136 : i32 to index
          %swap3A_147 = tpu.vector_load %arg20[%swap3A_146] {strides = array<i32>} : memref<8000xi32, #tpu.memory_space<vmem>>, vector<16xi32>,
          tpu.vector_store %arg20[%swap3A_146], %add3A_145 {strides = array<i32>} : memref<8000xi32, #tpu.memory_space<vmem>>, vector<16xi32>,
          %mul3A_148 = arith.constant 4 : i32
          %mul3A_149 = arith.muli %scan3A_129, %mul3A_148 : i32
          %add3A_150 = arith.constant 1 : i32
          %add3A_151 = arith.addi %mul3A_149, %add3A_150 : i32
          %mul3A_152 = arith.constant 16 : i32
          %mul3A_153 = arith.muli %add3A_151, %mul3A_152 : i32
          %get3A_154 = arith.index_cast %mul3A_153 : i32 to index
          %get3A_155 = tpu.vector_load %arg14[%get3A_154] {strides = array<i32>} : memref<8000xi32, #tpu.memory_space<vmem>>, vector<16xi32>,
          %get3A_156 = arith.index_cast %mul3A_153 : i32 to index
          %get3A_157 = tpu.vector_load %arg15[%get3A_156] {strides = array<i32>} : memref<8000xi32, #tpu.memory_space<vmem>>, vector<16xi32>,
          %get3A_158 = arith.index_cast %mul3A_153 : i32 to index
          %get3A_159 = tpu.vector_load %arg16[%get3A_158] {strides = array<i32>} : memref<8000xf32, #tpu.memory_space<vmem>>, vector<16xf32>,
          %gather3A_160 = tpu.vector_load_idx %arg8[%get3A_155] : memref<10240xf32, #tpu.memory_space<vmem>>[vector<16xi32>], vector<16xf32>,
          %mul3A_161 = arith.mulf %gather3A_160, %get3A_159 : vector<16xf32>
          %swap3A_162 = arith.index_cast %mul3A_153 : i32 to index
          %swap3A_163 = tpu.vector_load %arg19[%swap3A_162] {strides = array<i32>} : memref<8000xf32, #tpu.memory_space<vmem>>, vector<16xf32>,
          tpu.vector_store %arg19[%swap3A_162], %mul3A_161 {strides = array<i32>} : memref<8000xf32, #tpu.memory_space<vmem>>, vector<16xf32>,
          %add3A_164 = vector.broadcast %mul3A_17 : i32 to vector<16xi32>
          %add3A_165 = arith.addi %get3A_157, %add3A_164 : vector<16xi32>
          %swap3A_166 = arith.index_cast %mul3A_153 : i32 to index
          %swap3A_167 = tpu.vector_load %arg20[%swap3A_166] {strides = array<i32>} : memref<8000xi32, #tpu.memory_space<vmem>>, vector<16xi32>,
          tpu.vector_store %arg20[%swap3A_166], %add3A_165 {strides = array<i32>} : memref<8000xi32, #tpu.memory_space<vmem>>, vector<16xi32>,
          %mul3A_168 = arith.constant 4 : i32
          %mul3A_169 = arith.muli %scan3A_129, %mul3A_168 : i32
          %add3A_170 = arith.constant 2 : i32
          %add3A_171 = arith.addi %mul3A_169, %add3A_170 : i32
          %mul3A_172 = arith.constant 16 : i32
          %mul3A_173 = arith.muli %add3A_171, %mul3A_172 : i32
          %get3A_174 = arith.index_cast %mul3A_173 : i32 to index
          %get3A_175 = tpu.vector_load %arg14[%get3A_174] {strides = array<i32>} : memref<8000xi32, #tpu.memory_space<vmem>>, vector<16xi32>,
          %get3A_176 = arith.index_cast %mul3A_173 : i32 to index
          %get3A_177 = tpu.vector_load %arg15[%get3A_176] {strides = array<i32>} : memref<8000xi32, #tpu.memory_space<vmem>>, vector<16xi32>,
          %get3A_178 = arith.index_cast %mul3A_173 : i32 to index
          %get3A_179 = tpu.vector_load %arg16[%get3A_178] {strides = array<i32>} : memref<8000xf32, #tpu.memory_space<vmem>>, vector<16xf32>,
          %gather3A_180 = tpu.vector_load_idx %arg8[%get3A_175] : memref<10240xf32, #tpu.memory_space<vmem>>[vector<16xi32>], vector<16xf32>,
          %mul3A_181 = arith.mulf %gather3A_180, %get3A_179 : vector<16xf32>
          %swap3A_182 = arith.index_cast %mul3A_173 : i32 to index
          %swap3A_183 = tpu.vector_load %arg19[%swap3A_182] {strides = array<i32>} : memref<8000xf32, #tpu.memory_space<vmem>>, vector<16xf32>,
          tpu.vector_store %arg19[%swap3A_182], %mul3A_181 {strides = array<i32>} : memref<8000xf32, #tpu.memory_space<vmem>>, vector<16xf32>,
          %add3A_184 = vector.broadcast %mul3A_17 : i32 to vector<16xi32>
          %add3A_185 = arith.addi %get3A_177, %add3A_184 : vector<16xi32>
          %swap3A_186 = arith.index_cast %mul3A_173 : i32 to index
          %swap3A_187 = tpu.vector_load %arg20[%swap3A_186] {strides = array<i32>} : memref<8000xi32, #tpu.memory_space<vmem>>, vector<16xi32>,
          tpu.vector_store %arg20[%swap3A_186], %add3A_185 {strides = array<i32>} : memref<8000xi32, #tpu.memory_space<vmem>>, vector<16xi32>,
          %mul3A_188 = arith.constant 4 : i32
          %mul3A_189 = arith.muli %scan3A_129, %mul3A_188 : i32
          %add3A_190 = arith.constant 3 : i32
          %add3A_191 = arith.addi %mul3A_189, %add3A_190 : i32
          %mul3A_192 = arith.constant 16 : i32
          %mul3A_193 = arith.muli %add3A_191, %mul3A_192 : i32
          %get3A_194 = arith.index_cast %mul3A_193 : i32 to index
          %get3A_195 = tpu.vector_load %arg14[%get3A_194] {strides = array<i32>} : memref<8000xi32, #tpu.memory_space<vmem>>, vector<16xi32>,
          %get3A_196 = arith.index_cast %mul3A_193 : i32 to index
          %get3A_197 = tpu.vector_load %arg15[%get3A_196] {strides = array<i32>} : memref<8000xi32, #tpu.memory_space<vmem>>, vector<16xi32>,
          %get3A_198 = arith.index_cast %mul3A_193 : i32 to index
          %get3A_199 = tpu.vector_load %arg16[%get3A_198] {strides = array<i32>} : memref<8000xf32, #tpu.memory_space<vmem>>, vector<16xf32>,
          %gather3A_200 = tpu.vector_load_idx %arg8[%get3A_195] : memref<10240xf32, #tpu.memory_space<vmem>>[vector<16xi32>], vector<16xf32>,
          %mul3A_201 = arith.mulf %gather3A_200, %get3A_199 : vector<16xf32>
          %swap3A_202 = arith.index_cast %mul3A_193 : i32 to index
          %swap3A_203 = tpu.vector_load %arg19[%swap3A_202] {strides = array<i32>} : memref<8000xf32, #tpu.memory_space<vmem>>, vector<16xf32>,
          tpu.vector_store %arg19[%swap3A_202], %mul3A_201 {strides = array<i32>} : memref<8000xf32, #tpu.memory_space<vmem>>, vector<16xf32>,
          %add3A_204 = vector.broadcast %mul3A_17 : i32 to vector<16xi32>
          %add3A_205 = arith.addi %get3A_197, %add3A_204 : vector<16xi32>
          %swap3A_206 = arith.index_cast %mul3A_193 : i32 to index
          %swap3A_207 = tpu.vector_load %arg20[%swap3A_206] {strides = array<i32>} : memref<8000xi32, #tpu.memory_space<vmem>>, vector<16xi32>,
          tpu.vector_store %arg20[%swap3A_206], %add3A_205 {strides = array<i32>} : memref<8000xi32, #tpu.memory_space<vmem>>, vector<16xi32>,
          %scan3A_208 = arith.constant 0 : i32
          scf.yield %scan3A_208 : i32
        }
        %scan3A_118 = arith.constant 125 : i32
        %add3A_119 = arith.constant 2 : i32
        %add3A_120 = arith.addi %add3A_98, %add3A_119 : i32
        %lt3A_121 = arith.constant 20 : i32
        %lt3A_122 = arith.cmpi slt, %add3A_120, %lt3A_121 : i32
        %convert_element_type3A_123 = arith.extui %lt3A_122 : i1 to i32
        %cond3A_124 = arith.constant 0 : i32
        %cond3A_125 = arith.cmpi ne, %convert_element_type3A_123, %cond3A_124 : i32
        scf.if %cond3A_125 {
          %add3A_129 = arith.constant 2 : i32
          %add3A_130 = arith.addi %add3A_98, %add3A_129 : i32
          %mul3A_131 = arith.constant 8000 : i32
          %mul3A_132 = arith.muli %add3A_130, %mul3A_131 : i32
          %dma_start3A_133 = tpu.memref_slice %arg4[%mul3A_132] : memref<160000xi32, #tpu.memory_space<hbm>> -> memref<8000xi32, #tpu.memory_space<hbm>>
          %dma_start3A_134 = tpu.memref_slice %arg4[%mul3A_132] : memref<160000xi32, #tpu.memory_space<hbm>> -> memref<8000xi32, #tpu.memory_space<hbm>>
          tpu.enqueue_dma source(%dma_start3A_134 : memref<8000xi32, #tpu.memory_space<hbm>>) target(%arg14 : memref<8000xi32, #tpu.memory_space<vmem>>) target_semaphore(%arg22 : memref<!tpu.dma_semaphore, #tpu.memory_space<semaphore_mem>>)
          %dma_start3A_135 = tpu.memref_slice %arg5[%mul3A_132] : memref<160000xi32, #tpu.memory_space<hbm>> -> memref<8000xi32, #tpu.memory_space<hbm>>
          %dma_start3A_136 = tpu.memref_slice %arg5[%mul3A_132] : memref<160000xi32, #tpu.memory_space<hbm>> -> memref<8000xi32, #tpu.memory_space<hbm>>
          tpu.enqueue_dma source(%dma_start3A_136 : memref<8000xi32, #tpu.memory_space<hbm>>) target(%arg15 : memref<8000xi32, #tpu.memory_space<vmem>>) target_semaphore(%arg22 : memref<!tpu.dma_semaphore, #tpu.memory_space<semaphore_mem>>)
          %dma_start3A_137 = tpu.memref_slice %arg6[%mul3A_132] : memref<160000xf32, #tpu.memory_space<hbm>> -> memref<8000xf32, #tpu.memory_space<hbm>>
          %dma_start3A_138 = tpu.memref_slice %arg6[%mul3A_132] : memref<160000xf32, #tpu.memory_space<hbm>> -> memref<8000xf32, #tpu.memory_space<hbm>>
          tpu.enqueue_dma source(%dma_start3A_138 : memref<8000xf32, #tpu.memory_space<hbm>>) target(%arg16 : memref<8000xf32, #tpu.memory_space<vmem>>) target_semaphore(%arg22 : memref<!tpu.dma_semaphore, #tpu.memory_space<semaphore_mem>>)
        } else {
        }
        %dma_start3A_126 = arith.constant 0 : i32
        %dma_start3A_127 = tpu.memref_slice %arg25[%dma_start3A_126] : memref<122880xf32, #tpu.memory_space<vmem_shared>> -> memref<122880xf32, #tpu.memory_space<vmem_shared>>
        tpu.enqueue_indirect_dma source(%arg19 : memref<8000xf32, #tpu.memory_space<vmem>>) target(%dma_start3A_127 : memref<122880xf32, #tpu.memory_space<vmem_shared>>) offsets(%arg20 : memref<8000xi32, #tpu.memory_space<vmem>>) semaphore(%arg24 : memref<!tpu.dma_semaphore, #tpu.memory_space<semaphore_mem>>) {add = true}
        %scan3A_128 = arith.constant 0 : i32
        scf.yield %scan3A_128 : i32
      }
      %scan3A_47 = arith.constant 10 : i32
      %dma_wait3A = arith.constant 0 : i32
      %dma_wait3A_48 = tpu.memref_slice %arg25[%dma_wait3A] : memref<122880xf32, #tpu.memory_space<vmem_shared>> -> memref<122880xf32, #tpu.memory_space<vmem_shared>>
      tpu.wait_indirect_dma semaphore(%arg23 : memref<!tpu.dma_semaphore, #tpu.memory_space<semaphore_mem>>) src(%arg17 : memref<8000xf32, #tpu.memory_space<vmem>>) dst(%dma_wait3A_48 : memref<122880xf32, #tpu.memory_space<vmem_shared>>)
      %dma_wait3A_49 = arith.constant 0 : i32
      %dma_wait3A_50 = tpu.memref_slice %arg25[%dma_wait3A_49] : memref<122880xf32, #tpu.memory_space<vmem_shared>> -> memref<122880xf32, #tpu.memory_space<vmem_shared>>
      tpu.wait_indirect_dma semaphore(%arg24 : memref<!tpu.dma_semaphore, #tpu.memory_space<semaphore_mem>>) src(%arg19 : memref<8000xf32, #tpu.memory_space<vmem>>) dst(%dma_wait3A_50 : memref<122880xf32, #tpu.memory_space<vmem_shared>>)
      "tpu.region"() ({
        %run_scoped3A_61 = tpu.sem_alloc : memref<!tpu.dma_semaphore, #tpu.memory_space<semaphore_mem>>
        %dma_start3A_62 = tpu.memref_slice %arg25[%mul3A_17] : memref<122880xf32, #tpu.memory_space<vmem_shared>> -> memref<10240xf32, #tpu.memory_space<vmem_shared>>
        %dma_start3A_63 = tpu.memref_slice %arg25[%mul3A_17] : memref<122880xf32, #tpu.memory_space<vmem_shared>> -> memref<10240xf32, #tpu.memory_space<vmem_shared>>
        tpu.enqueue_dma source(%dma_start3A_63 : memref<10240xf32, #tpu.memory_space<vmem_shared>>) target(%arg10 : memref<10240xf32, #tpu.memory_space<vmem>>) target_semaphore(%run_scoped3A_61 : memref<!tpu.dma_semaphore, #tpu.memory_space<semaphore_mem>>)
        %dma_wait3A_64 = tpu.memref_slice %arg25[%mul3A_17] : memref<122880xf32, #tpu.memory_space<vmem_shared>> -> memref<10240xf32, #tpu.memory_space<vmem_shared>>
        %dma_wait3A_65 = tpu.memref_slice %arg25[%mul3A_17] : memref<122880xf32, #tpu.memory_space<vmem_shared>> -> memref<10240xf32, #tpu.memory_space<vmem_shared>>
        tpu.wait_dma2 semaphore(%run_scoped3A_61 : memref<!tpu.dma_semaphore, #tpu.memory_space<semaphore_mem>>) src(%dma_wait3A_65 : memref<10240xf32, #tpu.memory_space<vmem_shared>>) dst(%arg10 : memref<10240xf32, #tpu.memory_space<vmem>>)
        tpu.yield
      }) : () -> ()
      %scan3A_51 = arith.constant 0 : i32
      %scan3A_52 = arith.constant 0 : i32
      %scan3A_53 = arith.constant 640 : i32
      %scan3A_54 = arith.addi %scan3A_52, %scan3A_53 : i32
      %scan3A_55 = arith.constant 1 : i32
      %scan3A_56 = scf.for %scan3A_61 = %scan3A_52 to %scan3A_54 step %scan3A_55 iter_args(%scan3A_62 = %scan3A_51) -> (i32)  : i32 {
        %mul3A_63 = arith.constant 16 : i32
        %mul3A_64 = arith.muli %scan3A_61, %mul3A_63 : i32
        %get3A = arith.index_cast %mul3A_64 : i32 to index
        %get3A_65 = tpu.vector_load %arg10[%get3A] {strides = array<i32>} : memref<10240xf32, #tpu.memory_space<vmem>>, vector<16xf32>,
        %mul3A_66 = arith.constant 16 : i32
        %mul3A_67 = arith.muli %scan3A_61, %mul3A_66 : i32
        %get3A_68 = arith.index_cast %mul3A_67 : i32 to index
        %get3A_69 = tpu.vector_load %arg9[%get3A_68] {strides = array<i32>} : memref<10240xf32, #tpu.memory_space<vmem>>, vector<16xf32>,
        %mul3A_70 = arith.mulf %get3A_65, %get3A_69 : vector<16xf32>
        %mul3A_71 = arith.constant 16 : i32
        %mul3A_72 = arith.muli %scan3A_61, %mul3A_71 : i32
        %swap3A = arith.index_cast %mul3A_72 : i32 to index
        %swap3A_73 = tpu.vector_load %arg10[%swap3A] {strides = array<i32>} : memref<10240xf32, #tpu.memory_space<vmem>>, vector<16xf32>,
        tpu.vector_store %arg10[%swap3A], %mul3A_70 {strides = array<i32>} : memref<10240xf32, #tpu.memory_space<vmem>>, vector<16xf32>,
        %scan3A_74 = arith.constant 0 : i32
        scf.yield %scan3A_74 : i32
      }
      %scan3A_57 = arith.constant 640 : i32
      %mul3A_58 = arith.constant 16 : i32
      %mul3A_59 = arith.muli %arg0, %mul3A_58 : i32
      %add3A_60 = arith.addi %mul3A_59, %arg1 : i32
      "tpu.region"() ({
        %run_scoped3A_61 = tpu.sem_alloc : memref<!tpu.dma_semaphore, #tpu.memory_space<semaphore_mem>>
        %dma_start3A_62 = arith.constant 0 : i32
        %dma_start3A_63 = tpu.memref_slice %arg7[%add3A_60, %dma_start3A_62] : memref<32x10240xf32, #tpu.memory_space<hbm>> -> memref<1x10240xf32, #tpu.memory_space<hbm>>
        %dma_start3A_64 = tpu.memref_squeeze %dma_start3A_63 : memref<1x10240xf32, #tpu.memory_space<hbm>> -> memref<10240xf32, #tpu.memory_space<hbm>>
        %dma_start3A_65 = arith.constant 0 : i32
        %dma_start3A_66 = tpu.memref_slice %arg7[%add3A_60, %dma_start3A_65] : memref<32x10240xf32, #tpu.memory_space<hbm>> -> memref<1x10240xf32, #tpu.memory_space<hbm>>
        %dma_start3A_67 = tpu.memref_squeeze %dma_start3A_66 : memref<1x10240xf32, #tpu.memory_space<hbm>> -> memref<10240xf32, #tpu.memory_space<hbm>>
        tpu.enqueue_dma source(%arg10 : memref<10240xf32, #tpu.memory_space<vmem>>) target(%dma_start3A_67 : memref<10240xf32, #tpu.memory_space<hbm>>) target_semaphore(%run_scoped3A_61 : memref<!tpu.dma_semaphore, #tpu.memory_space<semaphore_mem>>)
        %dma_wait3A_68 = arith.constant 0 : i32
        %dma_wait3A_69 = tpu.memref_slice %arg7[%add3A_60, %dma_wait3A_68] : memref<32x10240xf32, #tpu.memory_space<hbm>> -> memref<1x10240xf32, #tpu.memory_space<hbm>>
        %dma_wait3A_70 = tpu.memref_squeeze %dma_wait3A_69 : memref<1x10240xf32, #tpu.memory_space<hbm>> -> memref<10240xf32, #tpu.memory_space<hbm>>
        %dma_wait3A_71 = arith.constant 0 : i32
        %dma_wait3A_72 = tpu.memref_slice %arg7[%add3A_60, %dma_wait3A_71] : memref<32x10240xf32, #tpu.memory_space<hbm>> -> memref<1x10240xf32, #tpu.memory_space<hbm>>
        %dma_wait3A_73 = tpu.memref_squeeze %dma_wait3A_72 : memref<1x10240xf32, #tpu.memory_space<hbm>> -> memref<10240xf32, #tpu.memory_space<hbm>>
        tpu.wait_dma2 semaphore(%run_scoped3A_61 : memref<!tpu.dma_semaphore, #tpu.memory_space<semaphore_mem>>) src(%arg10 : memref<10240xf32, #tpu.memory_space<vmem>>) dst(%dma_wait3A_73 : memref<10240xf32, #tpu.memory_space<hbm>>)
        tpu.yield
      }) : () -> ()
    } else {
    }
    return
  }
}

module attributes {stable_mosaic.version = 14 : i64} {
  func.func @_dinv_body(%arg0: memref<32x10240xf32, #tpu.memory_space<vmem>>, %arg1: memref<2x10240xf32, #tpu.memory_space<vmem>>) attributes {dimension_semantics = [], scalar_prefetch = 0 : i64, scratch_operands = 0 : i64, tpu.core_type = #tpu.core_type<tc>} {
    %get3A = arith.constant 0 : index
    %get3A_0 = arith.constant 0 : index
    %get3A_1 = vector.load %arg0[%get3A, %get3A_0] : memref<32x10240xf32, #tpu.memory_space<vmem>>, vector<32x10240xf32>
    %reduce_sum3A = arith.constant dense<0.000000e+00> : vector<10240xf32>
    %reduce_sum3A_2 = vector.multi_reduction <add>, %get3A_1, %reduce_sum3A [0] : vector<32x10240xf32> to vector<10240xf32>
    %broadcast_in_dim3A = vector.shape_cast %reduce_sum3A_2 : vector<10240xf32> to vector<1x10240xf32>
    %add3A = arith.constant 1.000000e+00 : f32
    %add3A_3 = vector.broadcast %add3A : f32 to vector<1x10240xf32>
    %add3A_4 = arith.addf %broadcast_in_dim3A, %add3A_3 : vector<1x10240xf32>
    %rsqrt3A = math.rsqrt %add3A_4 : vector<1x10240xf32>
    %mul3A = arith.mulf %rsqrt3A, %rsqrt3A : vector<1x10240xf32>
    %concatenate3A = tpu.concatenate %rsqrt3A, %mul3A in 0 : vector<1x10240xf32>, vector<1x10240xf32> -> vector<2x10240xf32>
    %swap3A = arith.constant 0 : index
    %swap3A_5 = arith.constant 0 : index
    %swap3A_6 = vector.load %arg1[%swap3A, %swap3A_5] : memref<2x10240xf32, #tpu.memory_space<vmem>>, vector<2x10240xf32>
    tpu.vector_store %arg1[%swap3A, %swap3A_5], %concatenate3A {strides = array<i32>} : memref<2x10240xf32, #tpu.memory_space<vmem>>, vector<2x10240xf32>,
    return
  }
}

module attributes {stable_mosaic.version = 14 : i64} {
  func.func @_gru_body(%arg0: i32, %arg1: i32, %arg2: memref<16x2048xf32, #tpu.memory_space<vmem>>, %arg3: memref<64x1xf32, #tpu.memory_space<vmem>>, %arg4: memref<64x1xf32, #tpu.memory_space<vmem>>, %arg5: memref<192x64xf32, #tpu.memory_space<vmem>>, %arg6: memref<192x64xf32, #tpu.memory_space<vmem>>, %arg7: memref<192x1xf32, #tpu.memory_space<vmem>>, %arg8: memref<192x1xf32, #tpu.memory_space<vmem>>, %arg9: memref<16x64xf32, #tpu.memory_space<vmem>>, %arg10: memref<16x1xf32, #tpu.memory_space<vmem>>, %arg11: memref<16x2048xf32, #tpu.memory_space<vmem>>) attributes {dimension_semantics = [#tpu.dimension_semantics<arbitrary>, #tpu.dimension_semantics<arbitrary>], iteration_bounds = array<i64: 2, 5>, scalar_prefetch = 0 : i64, scratch_operands = 0 : i64, tpu.core_type = #tpu.core_type<tc>, window_params = [{transform_indices = @transform_0, window_bounds = array<i64: 16, 2048>}, {pipeline_mode = #tpu.pipeline_mode<synchronous>, transform_indices = @transform_1, window_bounds = array<i64: 64, 1>}, {pipeline_mode = #tpu.pipeline_mode<synchronous>, transform_indices = @transform_2, window_bounds = array<i64: 64, 1>}, {pipeline_mode = #tpu.pipeline_mode<synchronous>, transform_indices = @transform_3, window_bounds = array<i64: 192, 64>}, {pipeline_mode = #tpu.pipeline_mode<synchronous>, transform_indices = @transform_4, window_bounds = array<i64: 192, 64>}, {pipeline_mode = #tpu.pipeline_mode<synchronous>, transform_indices = @transform_5, window_bounds = array<i64: 192, 1>}, {pipeline_mode = #tpu.pipeline_mode<synchronous>, transform_indices = @transform_6, window_bounds = array<i64: 192, 1>}, {pipeline_mode = #tpu.pipeline_mode<synchronous>, transform_indices = @transform_7, window_bounds = array<i64: 16, 64>}, {pipeline_mode = #tpu.pipeline_mode<synchronous>, transform_indices = @transform_8, window_bounds = array<i64: 16, 1>}, {transform_indices = @transform_9, window_bounds = array<i64: 16, 2048>}]} {
    %get3A = arith.constant 0 : index
    %get3A_0 = arith.constant 0 : index
    %get3A_1 = vector.load %arg2[%get3A, %get3A_0] : memref<16x2048xf32, #tpu.memory_space<vmem>>, vector<16x2048xf32>
    %get3A_2 = arith.constant 0 : index
    %get3A_3 = arith.constant 0 : index
    %get3A_4 = vector.load %arg3[%get3A_2, %get3A_3] : memref<64x1xf32, #tpu.memory_space<vmem>>, vector<64x1xf32>
    %get3A_5 = arith.constant 0 : index
    %get3A_6 = arith.constant 0 : index
    %get3A_7 = vector.load %arg4[%get3A_5, %get3A_6] : memref<64x1xf32, #tpu.memory_space<vmem>>, vector<64x1xf32>
    %get3A_8 = arith.constant 0 : index
    %get3A_9 = arith.constant 0 : index
    %get3A_10 = vector.load %arg7[%get3A_8, %get3A_9] : memref<192x1xf32, #tpu.memory_space<vmem>>, vector<192x1xf32>
    %get3A_11 = arith.constant 0 : index
    %get3A_12 = arith.constant 0 : index
    %get3A_13 = vector.load %arg8[%get3A_11, %get3A_12] : memref<192x1xf32, #tpu.memory_space<vmem>>, vector<192x1xf32>
    %get3A_14 = arith.constant 0 : index
    %get3A_15 = arith.constant 0 : index
    %get3A_16 = vector.load %arg5[%get3A_14, %get3A_15] : memref<192x64xf32, #tpu.memory_space<vmem>>, vector<192x64xf32>
    %convert_element_type3A = arith.truncf %get3A_16 : vector<192x64xf32> to vector<192x64xbf16>
    %get3A_17 = arith.constant 0 : index
    %get3A_18 = arith.constant 0 : index
    %get3A_19 = vector.load %arg6[%get3A_17, %get3A_18] : memref<192x64xf32, #tpu.memory_space<vmem>>, vector<192x64xf32>
    %convert_element_type3A_20 = arith.truncf %get3A_19 : vector<192x64xf32> to vector<192x64xbf16>
    %get3A_21 = arith.constant 0 : index
    %get3A_22 = arith.constant 0 : index
    %get3A_23 = vector.load %arg9[%get3A_21, %get3A_22] : memref<16x64xf32, #tpu.memory_space<vmem>>, vector<16x64xf32>
    %convert_element_type3A_24 = arith.truncf %get3A_23 : vector<16x64xf32> to vector<16x64xbf16>
    %broadcast_in_dim3A = arith.constant 0.000000e+00 : f32
    %broadcast_in_dim3A_25 = vector.broadcast %broadcast_in_dim3A : f32 to vector<64x2048xf32>
    %slice3A = vector.extract_strided_slice %get3A_1 {offsets = [0, 0], sizes = [1, 2048], strides = [1, 1]} : vector<16x2048xf32> to vector<1x2048xf32>
    %mul3A = vector.broadcast %get3A_4 : vector<64x1xf32> to vector<64x2048xf32>
    %mul3A_26 = vector.broadcast %slice3A : vector<1x2048xf32> to vector<64x2048xf32>
    %mul3A_27 = arith.mulf %mul3A, %mul3A_26 : vector<64x2048xf32>
    %add3A = vector.broadcast %get3A_7 : vector<64x1xf32> to vector<64x2048xf32>
    %add3A_28 = arith.addf %mul3A_27, %add3A : vector<64x2048xf32>
    %max3A = arith.constant 0.000000e+00 : f32
    %max3A_29 = vector.broadcast %max3A : f32 to vector<64x2048xf32>
    %max3A_30 = arith.maximumf %add3A_28, %max3A_29 : vector<64x2048xf32>
    %convert_element_type3A_31 = arith.truncf %max3A_30 : vector<64x2048xf32> to vector<64x2048xbf16>
    %dot_general3A = arith.constant dense<0.000000e+00> : vector<192x2048xf32>
    %dot_general3A_32 = tpu.matmul %convert_element_type3A, %convert_element_type3A_31, %dot_general3A {dimension_numbers = #tpu.dot_dimension_numbers<[1], [0], [0], [1], [0, 0, 1, 1], [], []>, transpose_lhs_hint = false} : vector<192x64xbf16>, vector<64x2048xbf16>, vector<192x2048xf32> -> vector<192x2048xf32>
    %add3A_33 = vector.broadcast %get3A_10 : vector<192x1xf32> to vector<192x2048xf32>
    %add3A_34 = arith.addf %dot_general3A_32, %add3A_33 : vector<192x2048xf32>
    %convert_element_type3A_35 = arith.truncf %broadcast_in_dim3A_25 : vector<64x2048xf32> to vector<64x2048xbf16>
    %dot_general3A_36 = arith.constant dense<0.000000e+00> : vector<192x2048xf32>
    %dot_general3A_37 = tpu.matmul %convert_element_type3A_20, %convert_element_type3A_35, %dot_general3A_36 {dimension_numbers = #tpu.dot_dimension_numbers<[1], [0], [0], [1], [0, 0, 1, 1], [], []>, transpose_lhs_hint = false} : vector<192x64xbf16>, vector<64x2048xbf16>, vector<192x2048xf32> -> vector<192x2048xf32>
    %add3A_38 = vector.broadcast %get3A_13 : vector<192x1xf32> to vector<192x2048xf32>
    %add3A_39 = arith.addf %dot_general3A_37, %add3A_38 : vector<192x2048xf32>
    %slice3A_40 = vector.extract_strided_slice %add3A_34 {offsets = [0, 0], sizes = [64, 2048], strides = [1, 1]} : vector<192x2048xf32> to vector<64x2048xf32>
    %slice3A_41 = vector.extract_strided_slice %add3A_39 {offsets = [0, 0], sizes = [64, 2048], strides = [1, 1]} : vector<192x2048xf32> to vector<64x2048xf32>
    %add3A_42 = arith.addf %slice3A_40, %slice3A_41 : vector<64x2048xf32>
    %logistic3A = arith.negf %add3A_42 : vector<64x2048xf32>
    %logistic3A_43 = math.exp %logistic3A : vector<64x2048xf32>
    %logistic3A_44 = arith.constant 1.000000e+00 : f32
    %logistic3A_45 = vector.broadcast %logistic3A_44 : f32 to vector<64x2048xf32>
    %logistic3A_46 = arith.addf %logistic3A_45, %logistic3A_43 : vector<64x2048xf32>
    %logistic3A_47 = arith.divf %logistic3A_45, %logistic3A_46 : vector<64x2048xf32>
    %slice3A_48 = vector.extract_strided_slice %add3A_34 {offsets = [64, 0], sizes = [64, 2048], strides = [1, 1]} : vector<192x2048xf32> to vector<64x2048xf32>
    %slice3A_49 = vector.extract_strided_slice %add3A_39 {offsets = [64, 0], sizes = [64, 2048], strides = [1, 1]} : vector<192x2048xf32> to vector<64x2048xf32>
    %add3A_50 = arith.addf %slice3A_48, %slice3A_49 : vector<64x2048xf32>
    %logistic3A_51 = arith.negf %add3A_50 : vector<64x2048xf32>
    %logistic3A_52 = math.exp %logistic3A_51 : vector<64x2048xf32>
    %logistic3A_53 = arith.constant 1.000000e+00 : f32
    %logistic3A_54 = vector.broadcast %logistic3A_53 : f32 to vector<64x2048xf32>
    %logistic3A_55 = arith.addf %logistic3A_54, %logistic3A_52 : vector<64x2048xf32>
    %logistic3A_56 = arith.divf %logistic3A_54, %logistic3A_55 : vector<64x2048xf32>
    %slice3A_57 = vector.extract_strided_slice %add3A_34 {offsets = [128, 0], sizes = [64, 2048], strides = [1, 1]} : vector<192x2048xf32> to vector<64x2048xf32>
    %slice3A_58 = vector.extract_strided_slice %add3A_39 {offsets = [128, 0], sizes = [64, 2048], strides = [1, 1]} : vector<192x2048xf32> to vector<64x2048xf32>
    %mul3A_59 = arith.mulf %logistic3A_47, %slice3A_58 : vector<64x2048xf32>
    %add3A_60 = arith.addf %slice3A_57, %mul3A_59 : vector<64x2048xf32>
    %tanh3A = math.tanh %add3A_60 : vector<64x2048xf32>
    %sub3A = arith.constant 1.000000e+00 : f32
    %sub3A_61 = vector.broadcast %sub3A : f32 to vector<64x2048xf32>
    %sub3A_62 = arith.subf %sub3A_61, %logistic3A_56 : vector<64x2048xf32>
    %mul3A_63 = arith.mulf %sub3A_62, %tanh3A : vector<64x2048xf32>
    %mul3A_64 = arith.mulf %logistic3A_56, %broadcast_in_dim3A_25 : vector<64x2048xf32>
    %add3A_65 = arith.addf %mul3A_63, %mul3A_64 : vector<64x2048xf32>
    %slice3A_66 = vector.extract_strided_slice %get3A_1 {offsets = [1, 0], sizes = [1, 2048], strides = [1, 1]} : vector<16x2048xf32> to vector<1x2048xf32>
    %mul3A_67 = vector.broadcast %get3A_4 : vector<64x1xf32> to vector<64x2048xf32>
    %mul3A_68 = vector.broadcast %slice3A_66 : vector<1x2048xf32> to vector<64x2048xf32>
    %mul3A_69 = arith.mulf %mul3A_67, %mul3A_68 : vector<64x2048xf32>
    %add3A_70 = vector.broadcast %get3A_7 : vector<64x1xf32> to vector<64x2048xf32>
    %add3A_71 = arith.addf %mul3A_69, %add3A_70 : vector<64x2048xf32>
    %max3A_72 = arith.constant 0.000000e+00 : f32
    %max3A_73 = vector.broadcast %max3A_72 : f32 to vector<64x2048xf32>
    %max3A_74 = arith.maximumf %add3A_71, %max3A_73 : vector<64x2048xf32>
    %convert_element_type3A_75 = arith.truncf %max3A_74 : vector<64x2048xf32> to vector<64x2048xbf16>
    %dot_general3A_76 = arith.constant dense<0.000000e+00> : vector<192x2048xf32>
    %dot_general3A_77 = tpu.matmul %convert_element_type3A, %convert_element_type3A_75, %dot_general3A_76 {dimension_numbers = #tpu.dot_dimension_numbers<[1], [0], [0], [1], [0, 0, 1, 1], [], []>, transpose_lhs_hint = false} : vector<192x64xbf16>, vector<64x2048xbf16>, vector<192x2048xf32> -> vector<192x2048xf32>
    %add3A_78 = vector.broadcast %get3A_10 : vector<192x1xf32> to vector<192x2048xf32>
    %add3A_79 = arith.addf %dot_general3A_77, %add3A_78 : vector<192x2048xf32>
    %convert_element_type3A_80 = arith.truncf %add3A_65 : vector<64x2048xf32> to vector<64x2048xbf16>
    %dot_general3A_81 = arith.constant dense<0.000000e+00> : vector<192x2048xf32>
    %dot_general3A_82 = tpu.matmul %convert_element_type3A_20, %convert_element_type3A_80, %dot_general3A_81 {dimension_numbers = #tpu.dot_dimension_numbers<[1], [0], [0], [1], [0, 0, 1, 1], [], []>, transpose_lhs_hint = false} : vector<192x64xbf16>, vector<64x2048xbf16>, vector<192x2048xf32> -> vector<192x2048xf32>
    %add3A_83 = vector.broadcast %get3A_13 : vector<192x1xf32> to vector<192x2048xf32>
    %add3A_84 = arith.addf %dot_general3A_82, %add3A_83 : vector<192x2048xf32>
    %slice3A_85 = vector.extract_strided_slice %add3A_79 {offsets = [0, 0], sizes = [64, 2048], strides = [1, 1]} : vector<192x2048xf32> to vector<64x2048xf32>
    %slice3A_86 = vector.extract_strided_slice %add3A_84 {offsets = [0, 0], sizes = [64, 2048], strides = [1, 1]} : vector<192x2048xf32> to vector<64x2048xf32>
    %add3A_87 = arith.addf %slice3A_85, %slice3A_86 : vector<64x2048xf32>
    %logistic3A_88 = arith.negf %add3A_87 : vector<64x2048xf32>
    %logistic3A_89 = math.exp %logistic3A_88 : vector<64x2048xf32>
    %logistic3A_90 = arith.constant 1.000000e+00 : f32
    %logistic3A_91 = vector.broadcast %logistic3A_90 : f32 to vector<64x2048xf32>
    %logistic3A_92 = arith.addf %logistic3A_91, %logistic3A_89 : vector<64x2048xf32>
    %logistic3A_93 = arith.divf %logistic3A_91, %logistic3A_92 : vector<64x2048xf32>
    %slice3A_94 = vector.extract_strided_slice %add3A_79 {offsets = [64, 0], sizes = [64, 2048], strides = [1, 1]} : vector<192x2048xf32> to vector<64x2048xf32>
    %slice3A_95 = vector.extract_strided_slice %add3A_84 {offsets = [64, 0], sizes = [64, 2048], strides = [1, 1]} : vector<192x2048xf32> to vector<64x2048xf32>
    %add3A_96 = arith.addf %slice3A_94, %slice3A_95 : vector<64x2048xf32>
    %logistic3A_97 = arith.negf %add3A_96 : vector<64x2048xf32>
    %logistic3A_98 = math.exp %logistic3A_97 : vector<64x2048xf32>
    %logistic3A_99 = arith.constant 1.000000e+00 : f32
    %logistic3A_100 = vector.broadcast %logistic3A_99 : f32 to vector<64x2048xf32>
    %logistic3A_101 = arith.addf %logistic3A_100, %logistic3A_98 : vector<64x2048xf32>
    %logistic3A_102 = arith.divf %logistic3A_100, %logistic3A_101 : vector<64x2048xf32>
    %slice3A_103 = vector.extract_strided_slice %add3A_79 {offsets = [128, 0], sizes = [64, 2048], strides = [1, 1]} : vector<192x2048xf32> to vector<64x2048xf32>
    %slice3A_104 = vector.extract_strided_slice %add3A_84 {offsets = [128, 0], sizes = [64, 2048], strides = [1, 1]} : vector<192x2048xf32> to vector<64x2048xf32>
    %mul3A_105 = arith.mulf %logistic3A_93, %slice3A_104 : vector<64x2048xf32>
    %add3A_106 = arith.addf %slice3A_103, %mul3A_105 : vector<64x2048xf32>
    %tanh3A_107 = math.tanh %add3A_106 : vector<64x2048xf32>
    %sub3A_108 = arith.constant 1.000000e+00 : f32
    %sub3A_109 = vector.broadcast %sub3A_108 : f32 to vector<64x2048xf32>
    %sub3A_110 = arith.subf %sub3A_109, %logistic3A_102 : vector<64x2048xf32>
    %mul3A_111 = arith.mulf %sub3A_110, %tanh3A_107 : vector<64x2048xf32>
    %mul3A_112 = arith.mulf %logistic3A_102, %add3A_65 : vector<64x2048xf32>
    %add3A_113 = arith.addf %mul3A_111, %mul3A_112 : vector<64x2048xf32>
    %slice3A_114 = vector.extract_strided_slice %get3A_1 {offsets = [2, 0], sizes = [1, 2048], strides = [1, 1]} : vector<16x2048xf32> to vector<1x2048xf32>
    %mul3A_115 = vector.broadcast %get3A_4 : vector<64x1xf32> to vector<64x2048xf32>
    %mul3A_116 = vector.broadcast %slice3A_114 : vector<1x2048xf32> to vector<64x2048xf32>
    %mul3A_117 = arith.mulf %mul3A_115, %mul3A_116 : vector<64x2048xf32>
    %add3A_118 = vector.broadcast %get3A_7 : vector<64x1xf32> to vector<64x2048xf32>
    %add3A_119 = arith.addf %mul3A_117, %add3A_118 : vector<64x2048xf32>
    %max3A_120 = arith.constant 0.000000e+00 : f32
    %max3A_121 = vector.broadcast %max3A_120 : f32 to vector<64x2048xf32>
    %max3A_122 = arith.maximumf %add3A_119, %max3A_121 : vector<64x2048xf32>
    %convert_element_type3A_123 = arith.truncf %max3A_122 : vector<64x2048xf32> to vector<64x2048xbf16>
    %dot_general3A_124 = arith.constant dense<0.000000e+00> : vector<192x2048xf32>
    %dot_general3A_125 = tpu.matmul %convert_element_type3A, %convert_element_type3A_123, %dot_general3A_124 {dimension_numbers = #tpu.dot_dimension_numbers<[1], [0], [0], [1], [0, 0, 1, 1], [], []>, transpose_lhs_hint = false} : vector<192x64xbf16>, vector<64x2048xbf16>, vector<192x2048xf32> -> vector<192x2048xf32>
    %add3A_126 = vector.broadcast %get3A_10 : vector<192x1xf32> to vector<192x2048xf32>
    %add3A_127 = arith.addf %dot_general3A_125, %add3A_126 : vector<192x2048xf32>
    %convert_element_type3A_128 = arith.truncf %add3A_113 : vector<64x2048xf32> to vector<64x2048xbf16>
    %dot_general3A_129 = arith.constant dense<0.000000e+00> : vector<192x2048xf32>
    %dot_general3A_130 = tpu.matmul %convert_element_type3A_20, %convert_element_type3A_128, %dot_general3A_129 {dimension_numbers = #tpu.dot_dimension_numbers<[1], [0], [0], [1], [0, 0, 1, 1], [], []>, transpose_lhs_hint = false} : vector<192x64xbf16>, vector<64x2048xbf16>, vector<192x2048xf32> -> vector<192x2048xf32>
    %add3A_131 = vector.broadcast %get3A_13 : vector<192x1xf32> to vector<192x2048xf32>
    %add3A_132 = arith.addf %dot_general3A_130, %add3A_131 : vector<192x2048xf32>
    %slice3A_133 = vector.extract_strided_slice %add3A_127 {offsets = [0, 0], sizes = [64, 2048], strides = [1, 1]} : vector<192x2048xf32> to vector<64x2048xf32>
    %slice3A_134 = vector.extract_strided_slice %add3A_132 {offsets = [0, 0], sizes = [64, 2048], strides = [1, 1]} : vector<192x2048xf32> to vector<64x2048xf32>
    %add3A_135 = arith.addf %slice3A_133, %slice3A_134 : vector<64x2048xf32>
    %logistic3A_136 = arith.negf %add3A_135 : vector<64x2048xf32>
    %logistic3A_137 = math.exp %logistic3A_136 : vector<64x2048xf32>
    %logistic3A_138 = arith.constant 1.000000e+00 : f32
    %logistic3A_139 = vector.broadcast %logistic3A_138 : f32 to vector<64x2048xf32>
    %logistic3A_140 = arith.addf %logistic3A_139, %logistic3A_137 : vector<64x2048xf32>
    %logistic3A_141 = arith.divf %logistic3A_139, %logistic3A_140 : vector<64x2048xf32>
    %slice3A_142 = vector.extract_strided_slice %add3A_127 {offsets = [64, 0], sizes = [64, 2048], strides = [1, 1]} : vector<192x2048xf32> to vector<64x2048xf32>
    %slice3A_143 = vector.extract_strided_slice %add3A_132 {offsets = [64, 0], sizes = [64, 2048], strides = [1, 1]} : vector<192x2048xf32> to vector<64x2048xf32>
    %add3A_144 = arith.addf %slice3A_142, %slice3A_143 : vector<64x2048xf32>
    %logistic3A_145 = arith.negf %add3A_144 : vector<64x2048xf32>
    %logistic3A_146 = math.exp %logistic3A_145 : vector<64x2048xf32>
    %logistic3A_147 = arith.constant 1.000000e+00 : f32
    %logistic3A_148 = vector.broadcast %logistic3A_147 : f32 to vector<64x2048xf32>
    %logistic3A_149 = arith.addf %logistic3A_148, %logistic3A_146 : vector<64x2048xf32>
    %logistic3A_150 = arith.divf %logistic3A_148, %logistic3A_149 : vector<64x2048xf32>
    %slice3A_151 = vector.extract_strided_slice %add3A_127 {offsets = [128, 0], sizes = [64, 2048], strides = [1, 1]} : vector<192x2048xf32> to vector<64x2048xf32>
    %slice3A_152 = vector.extract_strided_slice %add3A_132 {offsets = [128, 0], sizes = [64, 2048], strides = [1, 1]} : vector<192x2048xf32> to vector<64x2048xf32>
    %mul3A_153 = arith.mulf %logistic3A_141, %slice3A_152 : vector<64x2048xf32>
    %add3A_154 = arith.addf %slice3A_151, %mul3A_153 : vector<64x2048xf32>
    %tanh3A_155 = math.tanh %add3A_154 : vector<64x2048xf32>
    %sub3A_156 = arith.constant 1.000000e+00 : f32
    %sub3A_157 = vector.broadcast %sub3A_156 : f32 to vector<64x2048xf32>
    %sub3A_158 = arith.subf %sub3A_157, %logistic3A_150 : vector<64x2048xf32>
    %mul3A_159 = arith.mulf %sub3A_158, %tanh3A_155 : vector<64x2048xf32>
    %mul3A_160 = arith.mulf %logistic3A_150, %add3A_113 : vector<64x2048xf32>
    %add3A_161 = arith.addf %mul3A_159, %mul3A_160 : vector<64x2048xf32>
    %slice3A_162 = vector.extract_strided_slice %get3A_1 {offsets = [3, 0], sizes = [1, 2048], strides = [1, 1]} : vector<16x2048xf32> to vector<1x2048xf32>
    %mul3A_163 = vector.broadcast %get3A_4 : vector<64x1xf32> to vector<64x2048xf32>
    %mul3A_164 = vector.broadcast %slice3A_162 : vector<1x2048xf32> to vector<64x2048xf32>
    %mul3A_165 = arith.mulf %mul3A_163, %mul3A_164 : vector<64x2048xf32>
    %add3A_166 = vector.broadcast %get3A_7 : vector<64x1xf32> to vector<64x2048xf32>
    %add3A_167 = arith.addf %mul3A_165, %add3A_166 : vector<64x2048xf32>
    %max3A_168 = arith.constant 0.000000e+00 : f32
    %max3A_169 = vector.broadcast %max3A_168 : f32 to vector<64x2048xf32>
    %max3A_170 = arith.maximumf %add3A_167, %max3A_169 : vector<64x2048xf32>
    %convert_element_type3A_171 = arith.truncf %max3A_170 : vector<64x2048xf32> to vector<64x2048xbf16>
    %dot_general3A_172 = arith.constant dense<0.000000e+00> : vector<192x2048xf32>
    %dot_general3A_173 = tpu.matmul %convert_element_type3A, %convert_element_type3A_171, %dot_general3A_172 {dimension_numbers = #tpu.dot_dimension_numbers<[1], [0], [0], [1], [0, 0, 1, 1], [], []>, transpose_lhs_hint = false} : vector<192x64xbf16>, vector<64x2048xbf16>, vector<192x2048xf32> -> vector<192x2048xf32>
    %add3A_174 = vector.broadcast %get3A_10 : vector<192x1xf32> to vector<192x2048xf32>
    %add3A_175 = arith.addf %dot_general3A_173, %add3A_174 : vector<192x2048xf32>
    %convert_element_type3A_176 = arith.truncf %add3A_161 : vector<64x2048xf32> to vector<64x2048xbf16>
    %dot_general3A_177 = arith.constant dense<0.000000e+00> : vector<192x2048xf32>
    %dot_general3A_178 = tpu.matmul %convert_element_type3A_20, %convert_element_type3A_176, %dot_general3A_177 {dimension_numbers = #tpu.dot_dimension_numbers<[1], [0], [0], [1], [0, 0, 1, 1], [], []>, transpose_lhs_hint = false} : vector<192x64xbf16>, vector<64x2048xbf16>, vector<192x2048xf32> -> vector<192x2048xf32>
    %add3A_179 = vector.broadcast %get3A_13 : vector<192x1xf32> to vector<192x2048xf32>
    %add3A_180 = arith.addf %dot_general3A_178, %add3A_179 : vector<192x2048xf32>
    %slice3A_181 = vector.extract_strided_slice %add3A_175 {offsets = [0, 0], sizes = [64, 2048], strides = [1, 1]} : vector<192x2048xf32> to vector<64x2048xf32>
    %slice3A_182 = vector.extract_strided_slice %add3A_180 {offsets = [0, 0], sizes = [64, 2048], strides = [1, 1]} : vector<192x2048xf32> to vector<64x2048xf32>
    %add3A_183 = arith.addf %slice3A_181, %slice3A_182 : vector<64x2048xf32>
    %logistic3A_184 = arith.negf %add3A_183 : vector<64x2048xf32>
    %logistic3A_185 = math.exp %logistic3A_184 : vector<64x2048xf32>
    %logistic3A_186 = arith.constant 1.000000e+00 : f32
    %logistic3A_187 = vector.broadcast %logistic3A_186 : f32 to vector<64x2048xf32>
    %logistic3A_188 = arith.addf %logistic3A_187, %logistic3A_185 : vector<64x2048xf32>
    %logistic3A_189 = arith.divf %logistic3A_187, %logistic3A_188 : vector<64x2048xf32>
    %slice3A_190 = vector.extract_strided_slice %add3A_175 {offsets = [64, 0], sizes = [64, 2048], strides = [1, 1]} : vector<192x2048xf32> to vector<64x2048xf32>
    %slice3A_191 = vector.extract_strided_slice %add3A_180 {offsets = [64, 0], sizes = [64, 2048], strides = [1, 1]} : vector<192x2048xf32> to vector<64x2048xf32>
    %add3A_192 = arith.addf %slice3A_190, %slice3A_191 : vector<64x2048xf32>
    %logistic3A_193 = arith.negf %add3A_192 : vector<64x2048xf32>
    %logistic3A_194 = math.exp %logistic3A_193 : vector<64x2048xf32>
    %logistic3A_195 = arith.constant 1.000000e+00 : f32
    %logistic3A_196 = vector.broadcast %logistic3A_195 : f32 to vector<64x2048xf32>
    %logistic3A_197 = arith.addf %logistic3A_196, %logistic3A_194 : vector<64x2048xf32>
    %logistic3A_198 = arith.divf %logistic3A_196, %logistic3A_197 : vector<64x2048xf32>
    %slice3A_199 = vector.extract_strided_slice %add3A_175 {offsets = [128, 0], sizes = [64, 2048], strides = [1, 1]} : vector<192x2048xf32> to vector<64x2048xf32>
    %slice3A_200 = vector.extract_strided_slice %add3A_180 {offsets = [128, 0], sizes = [64, 2048], strides = [1, 1]} : vector<192x2048xf32> to vector<64x2048xf32>
    %mul3A_201 = arith.mulf %logistic3A_189, %slice3A_200 : vector<64x2048xf32>
    %add3A_202 = arith.addf %slice3A_199, %mul3A_201 : vector<64x2048xf32>
    %tanh3A_203 = math.tanh %add3A_202 : vector<64x2048xf32>
    %sub3A_204 = arith.constant 1.000000e+00 : f32
    %sub3A_205 = vector.broadcast %sub3A_204 : f32 to vector<64x2048xf32>
    %sub3A_206 = arith.subf %sub3A_205, %logistic3A_198 : vector<64x2048xf32>
    %mul3A_207 = arith.mulf %sub3A_206, %tanh3A_203 : vector<64x2048xf32>
    %mul3A_208 = arith.mulf %logistic3A_198, %add3A_161 : vector<64x2048xf32>
    %add3A_209 = arith.addf %mul3A_207, %mul3A_208 : vector<64x2048xf32>
    %slice3A_210 = vector.extract_strided_slice %get3A_1 {offsets = [4, 0], sizes = [1, 2048], strides = [1, 1]} : vector<16x2048xf32> to vector<1x2048xf32>
    %mul3A_211 = vector.broadcast %get3A_4 : vector<64x1xf32> to vector<64x2048xf32>
    %mul3A_212 = vector.broadcast %slice3A_210 : vector<1x2048xf32> to vector<64x2048xf32>
    %mul3A_213 = arith.mulf %mul3A_211, %mul3A_212 : vector<64x2048xf32>
    %add3A_214 = vector.broadcast %get3A_7 : vector<64x1xf32> to vector<64x2048xf32>
    %add3A_215 = arith.addf %mul3A_213, %add3A_214 : vector<64x2048xf32>
    %max3A_216 = arith.constant 0.000000e+00 : f32
    %max3A_217 = vector.broadcast %max3A_216 : f32 to vector<64x2048xf32>
    %max3A_218 = arith.maximumf %add3A_215, %max3A_217 : vector<64x2048xf32>
    %convert_element_type3A_219 = arith.truncf %max3A_218 : vector<64x2048xf32> to vector<64x2048xbf16>
    %dot_general3A_220 = arith.constant dense<0.000000e+00> : vector<192x2048xf32>
    %dot_general3A_221 = tpu.matmul %convert_element_type3A, %convert_element_type3A_219, %dot_general3A_220 {dimension_numbers = #tpu.dot_dimension_numbers<[1], [0], [0], [1], [0, 0, 1, 1], [], []>, transpose_lhs_hint = false} : vector<192x64xbf16>, vector<64x2048xbf16>, vector<192x2048xf32> -> vector<192x2048xf32>
    %add3A_222 = vector.broadcast %get3A_10 : vector<192x1xf32> to vector<192x2048xf32>
    %add3A_223 = arith.addf %dot_general3A_221, %add3A_222 : vector<192x2048xf32>
    %convert_element_type3A_224 = arith.truncf %add3A_209 : vector<64x2048xf32> to vector<64x2048xbf16>
    %dot_general3A_225 = arith.constant dense<0.000000e+00> : vector<192x2048xf32>
    %dot_general3A_226 = tpu.matmul %convert_element_type3A_20, %convert_element_type3A_224, %dot_general3A_225 {dimension_numbers = #tpu.dot_dimension_numbers<[1], [0], [0], [1], [0, 0, 1, 1], [], []>, transpose_lhs_hint = false} : vector<192x64xbf16>, vector<64x2048xbf16>, vector<192x2048xf32> -> vector<192x2048xf32>
    %add3A_227 = vector.broadcast %get3A_13 : vector<192x1xf32> to vector<192x2048xf32>
    %add3A_228 = arith.addf %dot_general3A_226, %add3A_227 : vector<192x2048xf32>
    %slice3A_229 = vector.extract_strided_slice %add3A_223 {offsets = [0, 0], sizes = [64, 2048], strides = [1, 1]} : vector<192x2048xf32> to vector<64x2048xf32>
    %slice3A_230 = vector.extract_strided_slice %add3A_228 {offsets = [0, 0], sizes = [64, 2048], strides = [1, 1]} : vector<192x2048xf32> to vector<64x2048xf32>
    %add3A_231 = arith.addf %slice3A_229, %slice3A_230 : vector<64x2048xf32>
    %logistic3A_232 = arith.negf %add3A_231 : vector<64x2048xf32>
    %logistic3A_233 = math.exp %logistic3A_232 : vector<64x2048xf32>
    %logistic3A_234 = arith.constant 1.000000e+00 : f32
    %logistic3A_235 = vector.broadcast %logistic3A_234 : f32 to vector<64x2048xf32>
    %logistic3A_236 = arith.addf %logistic3A_235, %logistic3A_233 : vector<64x2048xf32>
    %logistic3A_237 = arith.divf %logistic3A_235, %logistic3A_236 : vector<64x2048xf32>
    %slice3A_238 = vector.extract_strided_slice %add3A_223 {offsets = [64, 0], sizes = [64, 2048], strides = [1, 1]} : vector<192x2048xf32> to vector<64x2048xf32>
    %slice3A_239 = vector.extract_strided_slice %add3A_228 {offsets = [64, 0], sizes = [64, 2048], strides = [1, 1]} : vector<192x2048xf32> to vector<64x2048xf32>
    %add3A_240 = arith.addf %slice3A_238, %slice3A_239 : vector<64x2048xf32>
    %logistic3A_241 = arith.negf %add3A_240 : vector<64x2048xf32>
    %logistic3A_242 = math.exp %logistic3A_241 : vector<64x2048xf32>
    %logistic3A_243 = arith.constant 1.000000e+00 : f32
    %logistic3A_244 = vector.broadcast %logistic3A_243 : f32 to vector<64x2048xf32>
    %logistic3A_245 = arith.addf %logistic3A_244, %logistic3A_242 : vector<64x2048xf32>
    %logistic3A_246 = arith.divf %logistic3A_244, %logistic3A_245 : vector<64x2048xf32>
    %slice3A_247 = vector.extract_strided_slice %add3A_223 {offsets = [128, 0], sizes = [64, 2048], strides = [1, 1]} : vector<192x2048xf32> to vector<64x2048xf32>
    %slice3A_248 = vector.extract_strided_slice %add3A_228 {offsets = [128, 0], sizes = [64, 2048], strides = [1, 1]} : vector<192x2048xf32> to vector<64x2048xf32>
    %mul3A_249 = arith.mulf %logistic3A_237, %slice3A_248 : vector<64x2048xf32>
    %add3A_250 = arith.addf %slice3A_247, %mul3A_249 : vector<64x2048xf32>
    %tanh3A_251 = math.tanh %add3A_250 : vector<64x2048xf32>
    %sub3A_252 = arith.constant 1.000000e+00 : f32
    %sub3A_253 = vector.broadcast %sub3A_252 : f32 to vector<64x2048xf32>
    %sub3A_254 = arith.subf %sub3A_253, %logistic3A_246 : vector<64x2048xf32>
    %mul3A_255 = arith.mulf %sub3A_254, %tanh3A_251 : vector<64x2048xf32>
    %mul3A_256 = arith.mulf %logistic3A_246, %add3A_209 : vector<64x2048xf32>
    %add3A_257 = arith.addf %mul3A_255, %mul3A_256 : vector<64x2048xf32>
    %slice3A_258 = vector.extract_strided_slice %get3A_1 {offsets = [5, 0], sizes = [1, 2048], strides = [1, 1]} : vector<16x2048xf32> to vector<1x2048xf32>
    %mul3A_259 = vector.broadcast %get3A_4 : vector<64x1xf32> to vector<64x2048xf32>
    %mul3A_260 = vector.broadcast %slice3A_258 : vector<1x2048xf32> to vector<64x2048xf32>
    %mul3A_261 = arith.mulf %mul3A_259, %mul3A_260 : vector<64x2048xf32>
    %add3A_262 = vector.broadcast %get3A_7 : vector<64x1xf32> to vector<64x2048xf32>
    %add3A_263 = arith.addf %mul3A_261, %add3A_262 : vector<64x2048xf32>
    %max3A_264 = arith.constant 0.000000e+00 : f32
    %max3A_265 = vector.broadcast %max3A_264 : f32 to vector<64x2048xf32>
    %max3A_266 = arith.maximumf %add3A_263, %max3A_265 : vector<64x2048xf32>
    %convert_element_type3A_267 = arith.truncf %max3A_266 : vector<64x2048xf32> to vector<64x2048xbf16>
    %dot_general3A_268 = arith.constant dense<0.000000e+00> : vector<192x2048xf32>
    %dot_general3A_269 = tpu.matmul %convert_element_type3A, %convert_element_type3A_267, %dot_general3A_268 {dimension_numbers = #tpu.dot_dimension_numbers<[1], [0], [0], [1], [0, 0, 1, 1], [], []>, transpose_lhs_hint = false} : vector<192x64xbf16>, vector<64x2048xbf16>, vector<192x2048xf32> -> vector<192x2048xf32>
    %add3A_270 = vector.broadcast %get3A_10 : vector<192x1xf32> to vector<192x2048xf32>
    %add3A_271 = arith.addf %dot_general3A_269, %add3A_270 : vector<192x2048xf32>
    %convert_element_type3A_272 = arith.truncf %add3A_257 : vector<64x2048xf32> to vector<64x2048xbf16>
    %dot_general3A_273 = arith.constant dense<0.000000e+00> : vector<192x2048xf32>
    %dot_general3A_274 = tpu.matmul %convert_element_type3A_20, %convert_element_type3A_272, %dot_general3A_273 {dimension_numbers = #tpu.dot_dimension_numbers<[1], [0], [0], [1], [0, 0, 1, 1], [], []>, transpose_lhs_hint = false} : vector<192x64xbf16>, vector<64x2048xbf16>, vector<192x2048xf32> -> vector<192x2048xf32>
    %add3A_275 = vector.broadcast %get3A_13 : vector<192x1xf32> to vector<192x2048xf32>
    %add3A_276 = arith.addf %dot_general3A_274, %add3A_275 : vector<192x2048xf32>
    %slice3A_277 = vector.extract_strided_slice %add3A_271 {offsets = [0, 0], sizes = [64, 2048], strides = [1, 1]} : vector<192x2048xf32> to vector<64x2048xf32>
    %slice3A_278 = vector.extract_strided_slice %add3A_276 {offsets = [0, 0], sizes = [64, 2048], strides = [1, 1]} : vector<192x2048xf32> to vector<64x2048xf32>
    %add3A_279 = arith.addf %slice3A_277, %slice3A_278 : vector<64x2048xf32>
    %logistic3A_280 = arith.negf %add3A_279 : vector<64x2048xf32>
    %logistic3A_281 = math.exp %logistic3A_280 : vector<64x2048xf32>
    %logistic3A_282 = arith.constant 1.000000e+00 : f32
    %logistic3A_283 = vector.broadcast %logistic3A_282 : f32 to vector<64x2048xf32>
    %logistic3A_284 = arith.addf %logistic3A_283, %logistic3A_281 : vector<64x2048xf32>
    %logistic3A_285 = arith.divf %logistic3A_283, %logistic3A_284 : vector<64x2048xf32>
    %slice3A_286 = vector.extract_strided_slice %add3A_271 {offsets = [64, 0], sizes = [64, 2048], strides = [1, 1]} : vector<192x2048xf32> to vector<64x2048xf32>
    %slice3A_287 = vector.extract_strided_slice %add3A_276 {offsets = [64, 0], sizes = [64, 2048], strides = [1, 1]} : vector<192x2048xf32> to vector<64x2048xf32>
    %add3A_288 = arith.addf %slice3A_286, %slice3A_287 : vector<64x2048xf32>
    %logistic3A_289 = arith.negf %add3A_288 : vector<64x2048xf32>
    %logistic3A_290 = math.exp %logistic3A_289 : vector<64x2048xf32>
    %logistic3A_291 = arith.constant 1.000000e+00 : f32
    %logistic3A_292 = vector.broadcast %logistic3A_291 : f32 to vector<64x2048xf32>
    %logistic3A_293 = arith.addf %logistic3A_292, %logistic3A_290 : vector<64x2048xf32>
    %logistic3A_294 = arith.divf %logistic3A_292, %logistic3A_293 : vector<64x2048xf32>
    %slice3A_295 = vector.extract_strided_slice %add3A_271 {offsets = [128, 0], sizes = [64, 2048], strides = [1, 1]} : vector<192x2048xf32> to vector<64x2048xf32>
    %slice3A_296 = vector.extract_strided_slice %add3A_276 {offsets = [128, 0], sizes = [64, 2048], strides = [1, 1]} : vector<192x2048xf32> to vector<64x2048xf32>
    %mul3A_297 = arith.mulf %logistic3A_285, %slice3A_296 : vector<64x2048xf32>
    %add3A_298 = arith.addf %slice3A_295, %mul3A_297 : vector<64x2048xf32>
    %tanh3A_299 = math.tanh %add3A_298 : vector<64x2048xf32>
    %sub3A_300 = arith.constant 1.000000e+00 : f32
    %sub3A_301 = vector.broadcast %sub3A_300 : f32 to vector<64x2048xf32>
    %sub3A_302 = arith.subf %sub3A_301, %logistic3A_294 : vector<64x2048xf32>
    %mul3A_303 = arith.mulf %sub3A_302, %tanh3A_299 : vector<64x2048xf32>
    %mul3A_304 = arith.mulf %logistic3A_294, %add3A_257 : vector<64x2048xf32>
    %add3A_305 = arith.addf %mul3A_303, %mul3A_304 : vector<64x2048xf32>
    %slice3A_306 = vector.extract_strided_slice %get3A_1 {offsets = [6, 0], sizes = [1, 2048], strides = [1, 1]} : vector<16x2048xf32> to vector<1x2048xf32>
    %mul3A_307 = vector.broadcast %get3A_4 : vector<64x1xf32> to vector<64x2048xf32>
    %mul3A_308 = vector.broadcast %slice3A_306 : vector<1x2048xf32> to vector<64x2048xf32>
    %mul3A_309 = arith.mulf %mul3A_307, %mul3A_308 : vector<64x2048xf32>
    %add3A_310 = vector.broadcast %get3A_7 : vector<64x1xf32> to vector<64x2048xf32>
    %add3A_311 = arith.addf %mul3A_309, %add3A_310 : vector<64x2048xf32>
    %max3A_312 = arith.constant 0.000000e+00 : f32
    %max3A_313 = vector.broadcast %max3A_312 : f32 to vector<64x2048xf32>
    %max3A_314 = arith.maximumf %add3A_311, %max3A_313 : vector<64x2048xf32>
    %convert_element_type3A_315 = arith.truncf %max3A_314 : vector<64x2048xf32> to vector<64x2048xbf16>
    %dot_general3A_316 = arith.constant dense<0.000000e+00> : vector<192x2048xf32>
    %dot_general3A_317 = tpu.matmul %convert_element_type3A, %convert_element_type3A_315, %dot_general3A_316 {dimension_numbers = #tpu.dot_dimension_numbers<[1], [0], [0], [1], [0, 0, 1, 1], [], []>, transpose_lhs_hint = false} : vector<192x64xbf16>, vector<64x2048xbf16>, vector<192x2048xf32> -> vector<192x2048xf32>
    %add3A_318 = vector.broadcast %get3A_10 : vector<192x1xf32> to vector<192x2048xf32>
    %add3A_319 = arith.addf %dot_general3A_317, %add3A_318 : vector<192x2048xf32>
    %convert_element_type3A_320 = arith.truncf %add3A_305 : vector<64x2048xf32> to vector<64x2048xbf16>
    %dot_general3A_321 = arith.constant dense<0.000000e+00> : vector<192x2048xf32>
    %dot_general3A_322 = tpu.matmul %convert_element_type3A_20, %convert_element_type3A_320, %dot_general3A_321 {dimension_numbers = #tpu.dot_dimension_numbers<[1], [0], [0], [1], [0, 0, 1, 1], [], []>, transpose_lhs_hint = false} : vector<192x64xbf16>, vector<64x2048xbf16>, vector<192x2048xf32> -> vector<192x2048xf32>
    %add3A_323 = vector.broadcast %get3A_13 : vector<192x1xf32> to vector<192x2048xf32>
    %add3A_324 = arith.addf %dot_general3A_322, %add3A_323 : vector<192x2048xf32>
    %slice3A_325 = vector.extract_strided_slice %add3A_319 {offsets = [0, 0], sizes = [64, 2048], strides = [1, 1]} : vector<192x2048xf32> to vector<64x2048xf32>
    %slice3A_326 = vector.extract_strided_slice %add3A_324 {offsets = [0, 0], sizes = [64, 2048], strides = [1, 1]} : vector<192x2048xf32> to vector<64x2048xf32>
    %add3A_327 = arith.addf %slice3A_325, %slice3A_326 : vector<64x2048xf32>
    %logistic3A_328 = arith.negf %add3A_327 : vector<64x2048xf32>
    %logistic3A_329 = math.exp %logistic3A_328 : vector<64x2048xf32>
    %logistic3A_330 = arith.constant 1.000000e+00 : f32
    %logistic3A_331 = vector.broadcast %logistic3A_330 : f32 to vector<64x2048xf32>
    %logistic3A_332 = arith.addf %logistic3A_331, %logistic3A_329 : vector<64x2048xf32>
    %logistic3A_333 = arith.divf %logistic3A_331, %logistic3A_332 : vector<64x2048xf32>
    %slice3A_334 = vector.extract_strided_slice %add3A_319 {offsets = [64, 0], sizes = [64, 2048], strides = [1, 1]} : vector<192x2048xf32> to vector<64x2048xf32>
    %slice3A_335 = vector.extract_strided_slice %add3A_324 {offsets = [64, 0], sizes = [64, 2048], strides = [1, 1]} : vector<192x2048xf32> to vector<64x2048xf32>
    %add3A_336 = arith.addf %slice3A_334, %slice3A_335 : vector<64x2048xf32>
    %logistic3A_337 = arith.negf %add3A_336 : vector<64x2048xf32>
    %logistic3A_338 = math.exp %logistic3A_337 : vector<64x2048xf32>
    %logistic3A_339 = arith.constant 1.000000e+00 : f32
    %logistic3A_340 = vector.broadcast %logistic3A_339 : f32 to vector<64x2048xf32>
    %logistic3A_341 = arith.addf %logistic3A_340, %logistic3A_338 : vector<64x2048xf32>
    %logistic3A_342 = arith.divf %logistic3A_340, %logistic3A_341 : vector<64x2048xf32>
    %slice3A_343 = vector.extract_strided_slice %add3A_319 {offsets = [128, 0], sizes = [64, 2048], strides = [1, 1]} : vector<192x2048xf32> to vector<64x2048xf32>
    %slice3A_344 = vector.extract_strided_slice %add3A_324 {offsets = [128, 0], sizes = [64, 2048], strides = [1, 1]} : vector<192x2048xf32> to vector<64x2048xf32>
    %mul3A_345 = arith.mulf %logistic3A_333, %slice3A_344 : vector<64x2048xf32>
    %add3A_346 = arith.addf %slice3A_343, %mul3A_345 : vector<64x2048xf32>
    %tanh3A_347 = math.tanh %add3A_346 : vector<64x2048xf32>
    %sub3A_348 = arith.constant 1.000000e+00 : f32
    %sub3A_349 = vector.broadcast %sub3A_348 : f32 to vector<64x2048xf32>
    %sub3A_350 = arith.subf %sub3A_349, %logistic3A_342 : vector<64x2048xf32>
    %mul3A_351 = arith.mulf %sub3A_350, %tanh3A_347 : vector<64x2048xf32>
    %mul3A_352 = arith.mulf %logistic3A_342, %add3A_305 : vector<64x2048xf32>
    %add3A_353 = arith.addf %mul3A_351, %mul3A_352 : vector<64x2048xf32>
    %slice3A_354 = vector.extract_strided_slice %get3A_1 {offsets = [7, 0], sizes = [1, 2048], strides = [1, 1]} : vector<16x2048xf32> to vector<1x2048xf32>
    %mul3A_355 = vector.broadcast %get3A_4 : vector<64x1xf32> to vector<64x2048xf32>
    %mul3A_356 = vector.broadcast %slice3A_354 : vector<1x2048xf32> to vector<64x2048xf32>
    %mul3A_357 = arith.mulf %mul3A_355, %mul3A_356 : vector<64x2048xf32>
    %add3A_358 = vector.broadcast %get3A_7 : vector<64x1xf32> to vector<64x2048xf32>
    %add3A_359 = arith.addf %mul3A_357, %add3A_358 : vector<64x2048xf32>
    %max3A_360 = arith.constant 0.000000e+00 : f32
    %max3A_361 = vector.broadcast %max3A_360 : f32 to vector<64x2048xf32>
    %max3A_362 = arith.maximumf %add3A_359, %max3A_361 : vector<64x2048xf32>
    %convert_element_type3A_363 = arith.truncf %max3A_362 : vector<64x2048xf32> to vector<64x2048xbf16>
    %dot_general3A_364 = arith.constant dense<0.000000e+00> : vector<192x2048xf32>
    %dot_general3A_365 = tpu.matmul %convert_element_type3A, %convert_element_type3A_363, %dot_general3A_364 {dimension_numbers = #tpu.dot_dimension_numbers<[1], [0], [0], [1], [0, 0, 1, 1], [], []>, transpose_lhs_hint = false} : vector<192x64xbf16>, vector<64x2048xbf16>, vector<192x2048xf32> -> vector<192x2048xf32>
    %add3A_366 = vector.broadcast %get3A_10 : vector<192x1xf32> to vector<192x2048xf32>
    %add3A_367 = arith.addf %dot_general3A_365, %add3A_366 : vector<192x2048xf32>
    %convert_element_type3A_368 = arith.truncf %add3A_353 : vector<64x2048xf32> to vector<64x2048xbf16>
    %dot_general3A_369 = arith.constant dense<0.000000e+00> : vector<192x2048xf32>
    %dot_general3A_370 = tpu.matmul %convert_element_type3A_20, %convert_element_type3A_368, %dot_general3A_369 {dimension_numbers = #tpu.dot_dimension_numbers<[1], [0], [0], [1], [0, 0, 1, 1], [], []>, transpose_lhs_hint = false} : vector<192x64xbf16>, vector<64x2048xbf16>, vector<192x2048xf32> -> vector<192x2048xf32>
    %add3A_371 = vector.broadcast %get3A_13 : vector<192x1xf32> to vector<192x2048xf32>
    %add3A_372 = arith.addf %dot_general3A_370, %add3A_371 : vector<192x2048xf32>
    %slice3A_373 = vector.extract_strided_slice %add3A_367 {offsets = [0, 0], sizes = [64, 2048], strides = [1, 1]} : vector<192x2048xf32> to vector<64x2048xf32>
    %slice3A_374 = vector.extract_strided_slice %add3A_372 {offsets = [0, 0], sizes = [64, 2048], strides = [1, 1]} : vector<192x2048xf32> to vector<64x2048xf32>
    %add3A_375 = arith.addf %slice3A_373, %slice3A_374 : vector<64x2048xf32>
    %logistic3A_376 = arith.negf %add3A_375 : vector<64x2048xf32>
    %logistic3A_377 = math.exp %logistic3A_376 : vector<64x2048xf32>
    %logistic3A_378 = arith.constant 1.000000e+00 : f32
    %logistic3A_379 = vector.broadcast %logistic3A_378 : f32 to vector<64x2048xf32>
    %logistic3A_380 = arith.addf %logistic3A_379, %logistic3A_377 : vector<64x2048xf32>
    %logistic3A_381 = arith.divf %logistic3A_379, %logistic3A_380 : vector<64x2048xf32>
    %slice3A_382 = vector.extract_strided_slice %add3A_367 {offsets = [64, 0], sizes = [64, 2048], strides = [1, 1]} : vector<192x2048xf32> to vector<64x2048xf32>
    %slice3A_383 = vector.extract_strided_slice %add3A_372 {offsets = [64, 0], sizes = [64, 2048], strides = [1, 1]} : vector<192x2048xf32> to vector<64x2048xf32>
    %add3A_384 = arith.addf %slice3A_382, %slice3A_383 : vector<64x2048xf32>
    %logistic3A_385 = arith.negf %add3A_384 : vector<64x2048xf32>
    %logistic3A_386 = math.exp %logistic3A_385 : vector<64x2048xf32>
    %logistic3A_387 = arith.constant 1.000000e+00 : f32
    %logistic3A_388 = vector.broadcast %logistic3A_387 : f32 to vector<64x2048xf32>
    %logistic3A_389 = arith.addf %logistic3A_388, %logistic3A_386 : vector<64x2048xf32>
    %logistic3A_390 = arith.divf %logistic3A_388, %logistic3A_389 : vector<64x2048xf32>
    %slice3A_391 = vector.extract_strided_slice %add3A_367 {offsets = [128, 0], sizes = [64, 2048], strides = [1, 1]} : vector<192x2048xf32> to vector<64x2048xf32>
    %slice3A_392 = vector.extract_strided_slice %add3A_372 {offsets = [128, 0], sizes = [64, 2048], strides = [1, 1]} : vector<192x2048xf32> to vector<64x2048xf32>
    %mul3A_393 = arith.mulf %logistic3A_381, %slice3A_392 : vector<64x2048xf32>
    %add3A_394 = arith.addf %slice3A_391, %mul3A_393 : vector<64x2048xf32>
    %tanh3A_395 = math.tanh %add3A_394 : vector<64x2048xf32>
    %sub3A_396 = arith.constant 1.000000e+00 : f32
    %sub3A_397 = vector.broadcast %sub3A_396 : f32 to vector<64x2048xf32>
    %sub3A_398 = arith.subf %sub3A_397, %logistic3A_390 : vector<64x2048xf32>
    %mul3A_399 = arith.mulf %sub3A_398, %tanh3A_395 : vector<64x2048xf32>
    %mul3A_400 = arith.mulf %logistic3A_390, %add3A_353 : vector<64x2048xf32>
    %add3A_401 = arith.addf %mul3A_399, %mul3A_400 : vector<64x2048xf32>
    %slice3A_402 = vector.extract_strided_slice %get3A_1 {offsets = [8, 0], sizes = [1, 2048], strides = [1, 1]} : vector<16x2048xf32> to vector<1x2048xf32>
    %mul3A_403 = vector.broadcast %get3A_4 : vector<64x1xf32> to vector<64x2048xf32>
    %mul3A_404 = vector.broadcast %slice3A_402 : vector<1x2048xf32> to vector<64x2048xf32>
    %mul3A_405 = arith.mulf %mul3A_403, %mul3A_404 : vector<64x2048xf32>
    %add3A_406 = vector.broadcast %get3A_7 : vector<64x1xf32> to vector<64x2048xf32>
    %add3A_407 = arith.addf %mul3A_405, %add3A_406 : vector<64x2048xf32>
    %max3A_408 = arith.constant 0.000000e+00 : f32
    %max3A_409 = vector.broadcast %max3A_408 : f32 to vector<64x2048xf32>
    %max3A_410 = arith.maximumf %add3A_407, %max3A_409 : vector<64x2048xf32>
    %convert_element_type3A_411 = arith.truncf %max3A_410 : vector<64x2048xf32> to vector<64x2048xbf16>
    %dot_general3A_412 = arith.constant dense<0.000000e+00> : vector<192x2048xf32>
    %dot_general3A_413 = tpu.matmul %convert_element_type3A, %convert_element_type3A_411, %dot_general3A_412 {dimension_numbers = #tpu.dot_dimension_numbers<[1], [0], [0], [1], [0, 0, 1, 1], [], []>, transpose_lhs_hint = false} : vector<192x64xbf16>, vector<64x2048xbf16>, vector<192x2048xf32> -> vector<192x2048xf32>
    %add3A_414 = vector.broadcast %get3A_10 : vector<192x1xf32> to vector<192x2048xf32>
    %add3A_415 = arith.addf %dot_general3A_413, %add3A_414 : vector<192x2048xf32>
    %convert_element_type3A_416 = arith.truncf %add3A_401 : vector<64x2048xf32> to vector<64x2048xbf16>
    %dot_general3A_417 = arith.constant dense<0.000000e+00> : vector<192x2048xf32>
    %dot_general3A_418 = tpu.matmul %convert_element_type3A_20, %convert_element_type3A_416, %dot_general3A_417 {dimension_numbers = #tpu.dot_dimension_numbers<[1], [0], [0], [1], [0, 0, 1, 1], [], []>, transpose_lhs_hint = false} : vector<192x64xbf16>, vector<64x2048xbf16>, vector<192x2048xf32> -> vector<192x2048xf32>
    %add3A_419 = vector.broadcast %get3A_13 : vector<192x1xf32> to vector<192x2048xf32>
    %add3A_420 = arith.addf %dot_general3A_418, %add3A_419 : vector<192x2048xf32>
    %slice3A_421 = vector.extract_strided_slice %add3A_415 {offsets = [0, 0], sizes = [64, 2048], strides = [1, 1]} : vector<192x2048xf32> to vector<64x2048xf32>
    %slice3A_422 = vector.extract_strided_slice %add3A_420 {offsets = [0, 0], sizes = [64, 2048], strides = [1, 1]} : vector<192x2048xf32> to vector<64x2048xf32>
    %add3A_423 = arith.addf %slice3A_421, %slice3A_422 : vector<64x2048xf32>
    %logistic3A_424 = arith.negf %add3A_423 : vector<64x2048xf32>
    %logistic3A_425 = math.exp %logistic3A_424 : vector<64x2048xf32>
    %logistic3A_426 = arith.constant 1.000000e+00 : f32
    %logistic3A_427 = vector.broadcast %logistic3A_426 : f32 to vector<64x2048xf32>
    %logistic3A_428 = arith.addf %logistic3A_427, %logistic3A_425 : vector<64x2048xf32>
    %logistic3A_429 = arith.divf %logistic3A_427, %logistic3A_428 : vector<64x2048xf32>
    %slice3A_430 = vector.extract_strided_slice %add3A_415 {offsets = [64, 0], sizes = [64, 2048], strides = [1, 1]} : vector<192x2048xf32> to vector<64x2048xf32>
    %slice3A_431 = vector.extract_strided_slice %add3A_420 {offsets = [64, 0], sizes = [64, 2048], strides = [1, 1]} : vector<192x2048xf32> to vector<64x2048xf32>
    %add3A_432 = arith.addf %slice3A_430, %slice3A_431 : vector<64x2048xf32>
    %logistic3A_433 = arith.negf %add3A_432 : vector<64x2048xf32>
    %logistic3A_434 = math.exp %logistic3A_433 : vector<64x2048xf32>
    %logistic3A_435 = arith.constant 1.000000e+00 : f32
    %logistic3A_436 = vector.broadcast %logistic3A_435 : f32 to vector<64x2048xf32>
    %logistic3A_437 = arith.addf %logistic3A_436, %logistic3A_434 : vector<64x2048xf32>
    %logistic3A_438 = arith.divf %logistic3A_436, %logistic3A_437 : vector<64x2048xf32>
    %slice3A_439 = vector.extract_strided_slice %add3A_415 {offsets = [128, 0], sizes = [64, 2048], strides = [1, 1]} : vector<192x2048xf32> to vector<64x2048xf32>
    %slice3A_440 = vector.extract_strided_slice %add3A_420 {offsets = [128, 0], sizes = [64, 2048], strides = [1, 1]} : vector<192x2048xf32> to vector<64x2048xf32>
    %mul3A_441 = arith.mulf %logistic3A_429, %slice3A_440 : vector<64x2048xf32>
    %add3A_442 = arith.addf %slice3A_439, %mul3A_441 : vector<64x2048xf32>
    %tanh3A_443 = math.tanh %add3A_442 : vector<64x2048xf32>
    %sub3A_444 = arith.constant 1.000000e+00 : f32
    %sub3A_445 = vector.broadcast %sub3A_444 : f32 to vector<64x2048xf32>
    %sub3A_446 = arith.subf %sub3A_445, %logistic3A_438 : vector<64x2048xf32>
    %mul3A_447 = arith.mulf %sub3A_446, %tanh3A_443 : vector<64x2048xf32>
    %mul3A_448 = arith.mulf %logistic3A_438, %add3A_401 : vector<64x2048xf32>
    %add3A_449 = arith.addf %mul3A_447, %mul3A_448 : vector<64x2048xf32>
    %slice3A_450 = vector.extract_strided_slice %get3A_1 {offsets = [9, 0], sizes = [1, 2048], strides = [1, 1]} : vector<16x2048xf32> to vector<1x2048xf32>
    %mul3A_451 = vector.broadcast %get3A_4 : vector<64x1xf32> to vector<64x2048xf32>
    %mul3A_452 = vector.broadcast %slice3A_450 : vector<1x2048xf32> to vector<64x2048xf32>
    %mul3A_453 = arith.mulf %mul3A_451, %mul3A_452 : vector<64x2048xf32>
    %add3A_454 = vector.broadcast %get3A_7 : vector<64x1xf32> to vector<64x2048xf32>
    %add3A_455 = arith.addf %mul3A_453, %add3A_454 : vector<64x2048xf32>
    %max3A_456 = arith.constant 0.000000e+00 : f32
    %max3A_457 = vector.broadcast %max3A_456 : f32 to vector<64x2048xf32>
    %max3A_458 = arith.maximumf %add3A_455, %max3A_457 : vector<64x2048xf32>
    %convert_element_type3A_459 = arith.truncf %max3A_458 : vector<64x2048xf32> to vector<64x2048xbf16>
    %dot_general3A_460 = arith.constant dense<0.000000e+00> : vector<192x2048xf32>
    %dot_general3A_461 = tpu.matmul %convert_element_type3A, %convert_element_type3A_459, %dot_general3A_460 {dimension_numbers = #tpu.dot_dimension_numbers<[1], [0], [0], [1], [0, 0, 1, 1], [], []>, transpose_lhs_hint = false} : vector<192x64xbf16>, vector<64x2048xbf16>, vector<192x2048xf32> -> vector<192x2048xf32>
    %add3A_462 = vector.broadcast %get3A_10 : vector<192x1xf32> to vector<192x2048xf32>
    %add3A_463 = arith.addf %dot_general3A_461, %add3A_462 : vector<192x2048xf32>
    %convert_element_type3A_464 = arith.truncf %add3A_449 : vector<64x2048xf32> to vector<64x2048xbf16>
    %dot_general3A_465 = arith.constant dense<0.000000e+00> : vector<192x2048xf32>
    %dot_general3A_466 = tpu.matmul %convert_element_type3A_20, %convert_element_type3A_464, %dot_general3A_465 {dimension_numbers = #tpu.dot_dimension_numbers<[1], [0], [0], [1], [0, 0, 1, 1], [], []>, transpose_lhs_hint = false} : vector<192x64xbf16>, vector<64x2048xbf16>, vector<192x2048xf32> -> vector<192x2048xf32>
    %add3A_467 = vector.broadcast %get3A_13 : vector<192x1xf32> to vector<192x2048xf32>
    %add3A_468 = arith.addf %dot_general3A_466, %add3A_467 : vector<192x2048xf32>
    %slice3A_469 = vector.extract_strided_slice %add3A_463 {offsets = [0, 0], sizes = [64, 2048], strides = [1, 1]} : vector<192x2048xf32> to vector<64x2048xf32>
    %slice3A_470 = vector.extract_strided_slice %add3A_468 {offsets = [0, 0], sizes = [64, 2048], strides = [1, 1]} : vector<192x2048xf32> to vector<64x2048xf32>
    %add3A_471 = arith.addf %slice3A_469, %slice3A_470 : vector<64x2048xf32>
    %logistic3A_472 = arith.negf %add3A_471 : vector<64x2048xf32>
    %logistic3A_473 = math.exp %logistic3A_472 : vector<64x2048xf32>
    %logistic3A_474 = arith.constant 1.000000e+00 : f32
    %logistic3A_475 = vector.broadcast %logistic3A_474 : f32 to vector<64x2048xf32>
    %logistic3A_476 = arith.addf %logistic3A_475, %logistic3A_473 : vector<64x2048xf32>
    %logistic3A_477 = arith.divf %logistic3A_475, %logistic3A_476 : vector<64x2048xf32>
    %slice3A_478 = vector.extract_strided_slice %add3A_463 {offsets = [64, 0], sizes = [64, 2048], strides = [1, 1]} : vector<192x2048xf32> to vector<64x2048xf32>
    %slice3A_479 = vector.extract_strided_slice %add3A_468 {offsets = [64, 0], sizes = [64, 2048], strides = [1, 1]} : vector<192x2048xf32> to vector<64x2048xf32>
    %add3A_480 = arith.addf %slice3A_478, %slice3A_479 : vector<64x2048xf32>
    %logistic3A_481 = arith.negf %add3A_480 : vector<64x2048xf32>
    %logistic3A_482 = math.exp %logistic3A_481 : vector<64x2048xf32>
    %logistic3A_483 = arith.constant 1.000000e+00 : f32
    %logistic3A_484 = vector.broadcast %logistic3A_483 : f32 to vector<64x2048xf32>
    %logistic3A_485 = arith.addf %logistic3A_484, %logistic3A_482 : vector<64x2048xf32>
    %logistic3A_486 = arith.divf %logistic3A_484, %logistic3A_485 : vector<64x2048xf32>
    %slice3A_487 = vector.extract_strided_slice %add3A_463 {offsets = [128, 0], sizes = [64, 2048], strides = [1, 1]} : vector<192x2048xf32> to vector<64x2048xf32>
    %slice3A_488 = vector.extract_strided_slice %add3A_468 {offsets = [128, 0], sizes = [64, 2048], strides = [1, 1]} : vector<192x2048xf32> to vector<64x2048xf32>
    %mul3A_489 = arith.mulf %logistic3A_477, %slice3A_488 : vector<64x2048xf32>
    %add3A_490 = arith.addf %slice3A_487, %mul3A_489 : vector<64x2048xf32>
    %tanh3A_491 = math.tanh %add3A_490 : vector<64x2048xf32>
    %sub3A_492 = arith.constant 1.000000e+00 : f32
    %sub3A_493 = vector.broadcast %sub3A_492 : f32 to vector<64x2048xf32>
    %sub3A_494 = arith.subf %sub3A_493, %logistic3A_486 : vector<64x2048xf32>
    %mul3A_495 = arith.mulf %sub3A_494, %tanh3A_491 : vector<64x2048xf32>
    %mul3A_496 = arith.mulf %logistic3A_486, %add3A_449 : vector<64x2048xf32>
    %add3A_497 = arith.addf %mul3A_495, %mul3A_496 : vector<64x2048xf32>
    %slice3A_498 = vector.extract_strided_slice %get3A_1 {offsets = [10, 0], sizes = [1, 2048], strides = [1, 1]} : vector<16x2048xf32> to vector<1x2048xf32>
    %mul3A_499 = vector.broadcast %get3A_4 : vector<64x1xf32> to vector<64x2048xf32>
    %mul3A_500 = vector.broadcast %slice3A_498 : vector<1x2048xf32> to vector<64x2048xf32>
    %mul3A_501 = arith.mulf %mul3A_499, %mul3A_500 : vector<64x2048xf32>
    %add3A_502 = vector.broadcast %get3A_7 : vector<64x1xf32> to vector<64x2048xf32>
    %add3A_503 = arith.addf %mul3A_501, %add3A_502 : vector<64x2048xf32>
    %max3A_504 = arith.constant 0.000000e+00 : f32
    %max3A_505 = vector.broadcast %max3A_504 : f32 to vector<64x2048xf32>
    %max3A_506 = arith.maximumf %add3A_503, %max3A_505 : vector<64x2048xf32>
    %convert_element_type3A_507 = arith.truncf %max3A_506 : vector<64x2048xf32> to vector<64x2048xbf16>
    %dot_general3A_508 = arith.constant dense<0.000000e+00> : vector<192x2048xf32>
    %dot_general3A_509 = tpu.matmul %convert_element_type3A, %convert_element_type3A_507, %dot_general3A_508 {dimension_numbers = #tpu.dot_dimension_numbers<[1], [0], [0], [1], [0, 0, 1, 1], [], []>, transpose_lhs_hint = false} : vector<192x64xbf16>, vector<64x2048xbf16>, vector<192x2048xf32> -> vector<192x2048xf32>
    %add3A_510 = vector.broadcast %get3A_10 : vector<192x1xf32> to vector<192x2048xf32>
    %add3A_511 = arith.addf %dot_general3A_509, %add3A_510 : vector<192x2048xf32>
    %convert_element_type3A_512 = arith.truncf %add3A_497 : vector<64x2048xf32> to vector<64x2048xbf16>
    %dot_general3A_513 = arith.constant dense<0.000000e+00> : vector<192x2048xf32>
    %dot_general3A_514 = tpu.matmul %convert_element_type3A_20, %convert_element_type3A_512, %dot_general3A_513 {dimension_numbers = #tpu.dot_dimension_numbers<[1], [0], [0], [1], [0, 0, 1, 1], [], []>, transpose_lhs_hint = false} : vector<192x64xbf16>, vector<64x2048xbf16>, vector<192x2048xf32> -> vector<192x2048xf32>
    %add3A_515 = vector.broadcast %get3A_13 : vector<192x1xf32> to vector<192x2048xf32>
    %add3A_516 = arith.addf %dot_general3A_514, %add3A_515 : vector<192x2048xf32>
    %slice3A_517 = vector.extract_strided_slice %add3A_511 {offsets = [0, 0], sizes = [64, 2048], strides = [1, 1]} : vector<192x2048xf32> to vector<64x2048xf32>
    %slice3A_518 = vector.extract_strided_slice %add3A_516 {offsets = [0, 0], sizes = [64, 2048], strides = [1, 1]} : vector<192x2048xf32> to vector<64x2048xf32>
    %add3A_519 = arith.addf %slice3A_517, %slice3A_518 : vector<64x2048xf32>
    %logistic3A_520 = arith.negf %add3A_519 : vector<64x2048xf32>
    %logistic3A_521 = math.exp %logistic3A_520 : vector<64x2048xf32>
    %logistic3A_522 = arith.constant 1.000000e+00 : f32
    %logistic3A_523 = vector.broadcast %logistic3A_522 : f32 to vector<64x2048xf32>
    %logistic3A_524 = arith.addf %logistic3A_523, %logistic3A_521 : vector<64x2048xf32>
    %logistic3A_525 = arith.divf %logistic3A_523, %logistic3A_524 : vector<64x2048xf32>
    %slice3A_526 = vector.extract_strided_slice %add3A_511 {offsets = [64, 0], sizes = [64, 2048], strides = [1, 1]} : vector<192x2048xf32> to vector<64x2048xf32>
    %slice3A_527 = vector.extract_strided_slice %add3A_516 {offsets = [64, 0], sizes = [64, 2048], strides = [1, 1]} : vector<192x2048xf32> to vector<64x2048xf32>
    %add3A_528 = arith.addf %slice3A_526, %slice3A_527 : vector<64x2048xf32>
    %logistic3A_529 = arith.negf %add3A_528 : vector<64x2048xf32>
    %logistic3A_530 = math.exp %logistic3A_529 : vector<64x2048xf32>
    %logistic3A_531 = arith.constant 1.000000e+00 : f32
    %logistic3A_532 = vector.broadcast %logistic3A_531 : f32 to vector<64x2048xf32>
    %logistic3A_533 = arith.addf %logistic3A_532, %logistic3A_530 : vector<64x2048xf32>
    %logistic3A_534 = arith.divf %logistic3A_532, %logistic3A_533 : vector<64x2048xf32>
    %slice3A_535 = vector.extract_strided_slice %add3A_511 {offsets = [128, 0], sizes = [64, 2048], strides = [1, 1]} : vector<192x2048xf32> to vector<64x2048xf32>
    %slice3A_536 = vector.extract_strided_slice %add3A_516 {offsets = [128, 0], sizes = [64, 2048], strides = [1, 1]} : vector<192x2048xf32> to vector<64x2048xf32>
    %mul3A_537 = arith.mulf %logistic3A_525, %slice3A_536 : vector<64x2048xf32>
    %add3A_538 = arith.addf %slice3A_535, %mul3A_537 : vector<64x2048xf32>
    %tanh3A_539 = math.tanh %add3A_538 : vector<64x2048xf32>
    %sub3A_540 = arith.constant 1.000000e+00 : f32
    %sub3A_541 = vector.broadcast %sub3A_540 : f32 to vector<64x2048xf32>
    %sub3A_542 = arith.subf %sub3A_541, %logistic3A_534 : vector<64x2048xf32>
    %mul3A_543 = arith.mulf %sub3A_542, %tanh3A_539 : vector<64x2048xf32>
    %mul3A_544 = arith.mulf %logistic3A_534, %add3A_497 : vector<64x2048xf32>
    %add3A_545 = arith.addf %mul3A_543, %mul3A_544 : vector<64x2048xf32>
    %slice3A_546 = vector.extract_strided_slice %get3A_1 {offsets = [11, 0], sizes = [1, 2048], strides = [1, 1]} : vector<16x2048xf32> to vector<1x2048xf32>
    %mul3A_547 = vector.broadcast %get3A_4 : vector<64x1xf32> to vector<64x2048xf32>
    %mul3A_548 = vector.broadcast %slice3A_546 : vector<1x2048xf32> to vector<64x2048xf32>
    %mul3A_549 = arith.mulf %mul3A_547, %mul3A_548 : vector<64x2048xf32>
    %add3A_550 = vector.broadcast %get3A_7 : vector<64x1xf32> to vector<64x2048xf32>
    %add3A_551 = arith.addf %mul3A_549, %add3A_550 : vector<64x2048xf32>
    %max3A_552 = arith.constant 0.000000e+00 : f32
    %max3A_553 = vector.broadcast %max3A_552 : f32 to vector<64x2048xf32>
    %max3A_554 = arith.maximumf %add3A_551, %max3A_553 : vector<64x2048xf32>
    %convert_element_type3A_555 = arith.truncf %max3A_554 : vector<64x2048xf32> to vector<64x2048xbf16>
    %dot_general3A_556 = arith.constant dense<0.000000e+00> : vector<192x2048xf32>
    %dot_general3A_557 = tpu.matmul %convert_element_type3A, %convert_element_type3A_555, %dot_general3A_556 {dimension_numbers = #tpu.dot_dimension_numbers<[1], [0], [0], [1], [0, 0, 1, 1], [], []>, transpose_lhs_hint = false} : vector<192x64xbf16>, vector<64x2048xbf16>, vector<192x2048xf32> -> vector<192x2048xf32>
    %add3A_558 = vector.broadcast %get3A_10 : vector<192x1xf32> to vector<192x2048xf32>
    %add3A_559 = arith.addf %dot_general3A_557, %add3A_558 : vector<192x2048xf32>
    %convert_element_type3A_560 = arith.truncf %add3A_545 : vector<64x2048xf32> to vector<64x2048xbf16>
    %dot_general3A_561 = arith.constant dense<0.000000e+00> : vector<192x2048xf32>
    %dot_general3A_562 = tpu.matmul %convert_element_type3A_20, %convert_element_type3A_560, %dot_general3A_561 {dimension_numbers = #tpu.dot_dimension_numbers<[1], [0], [0], [1], [0, 0, 1, 1], [], []>, transpose_lhs_hint = false} : vector<192x64xbf16>, vector<64x2048xbf16>, vector<192x2048xf32> -> vector<192x2048xf32>
    %add3A_563 = vector.broadcast %get3A_13 : vector<192x1xf32> to vector<192x2048xf32>
    %add3A_564 = arith.addf %dot_general3A_562, %add3A_563 : vector<192x2048xf32>
    %slice3A_565 = vector.extract_strided_slice %add3A_559 {offsets = [0, 0], sizes = [64, 2048], strides = [1, 1]} : vector<192x2048xf32> to vector<64x2048xf32>
    %slice3A_566 = vector.extract_strided_slice %add3A_564 {offsets = [0, 0], sizes = [64, 2048], strides = [1, 1]} : vector<192x2048xf32> to vector<64x2048xf32>
    %add3A_567 = arith.addf %slice3A_565, %slice3A_566 : vector<64x2048xf32>
    %logistic3A_568 = arith.negf %add3A_567 : vector<64x2048xf32>
    %logistic3A_569 = math.exp %logistic3A_568 : vector<64x2048xf32>
    %logistic3A_570 = arith.constant 1.000000e+00 : f32
    %logistic3A_571 = vector.broadcast %logistic3A_570 : f32 to vector<64x2048xf32>
    %logistic3A_572 = arith.addf %logistic3A_571, %logistic3A_569 : vector<64x2048xf32>
    %logistic3A_573 = arith.divf %logistic3A_571, %logistic3A_572 : vector<64x2048xf32>
    %slice3A_574 = vector.extract_strided_slice %add3A_559 {offsets = [64, 0], sizes = [64, 2048], strides = [1, 1]} : vector<192x2048xf32> to vector<64x2048xf32>
    %slice3A_575 = vector.extract_strided_slice %add3A_564 {offsets = [64, 0], sizes = [64, 2048], strides = [1, 1]} : vector<192x2048xf32> to vector<64x2048xf32>
    %add3A_576 = arith.addf %slice3A_574, %slice3A_575 : vector<64x2048xf32>
    %logistic3A_577 = arith.negf %add3A_576 : vector<64x2048xf32>
    %logistic3A_578 = math.exp %logistic3A_577 : vector<64x2048xf32>
    %logistic3A_579 = arith.constant 1.000000e+00 : f32
    %logistic3A_580 = vector.broadcast %logistic3A_579 : f32 to vector<64x2048xf32>
    %logistic3A_581 = arith.addf %logistic3A_580, %logistic3A_578 : vector<64x2048xf32>
    %logistic3A_582 = arith.divf %logistic3A_580, %logistic3A_581 : vector<64x2048xf32>
    %slice3A_583 = vector.extract_strided_slice %add3A_559 {offsets = [128, 0], sizes = [64, 2048], strides = [1, 1]} : vector<192x2048xf32> to vector<64x2048xf32>
    %slice3A_584 = vector.extract_strided_slice %add3A_564 {offsets = [128, 0], sizes = [64, 2048], strides = [1, 1]} : vector<192x2048xf32> to vector<64x2048xf32>
    %mul3A_585 = arith.mulf %logistic3A_573, %slice3A_584 : vector<64x2048xf32>
    %add3A_586 = arith.addf %slice3A_583, %mul3A_585 : vector<64x2048xf32>
    %tanh3A_587 = math.tanh %add3A_586 : vector<64x2048xf32>
    %sub3A_588 = arith.constant 1.000000e+00 : f32
    %sub3A_589 = vector.broadcast %sub3A_588 : f32 to vector<64x2048xf32>
    %sub3A_590 = arith.subf %sub3A_589, %logistic3A_582 : vector<64x2048xf32>
    %mul3A_591 = arith.mulf %sub3A_590, %tanh3A_587 : vector<64x2048xf32>
    %mul3A_592 = arith.mulf %logistic3A_582, %add3A_545 : vector<64x2048xf32>
    %add3A_593 = arith.addf %mul3A_591, %mul3A_592 : vector<64x2048xf32>
    %convert_element_type3A_594 = arith.truncf %add3A_593 : vector<64x2048xf32> to vector<64x2048xbf16>
    %dot_general3A_595 = arith.constant dense<0.000000e+00> : vector<16x2048xf32>
    %dot_general3A_596 = tpu.matmul %convert_element_type3A_24, %convert_element_type3A_594, %dot_general3A_595 {dimension_numbers = #tpu.dot_dimension_numbers<[1], [0], [0], [1], [0, 0, 1, 1], [], []>, transpose_lhs_hint = false} : vector<16x64xbf16>, vector<64x2048xbf16>, vector<16x2048xf32> -> vector<16x2048xf32>
    %get3A_597 = arith.constant 0 : index
    %get3A_598 = arith.constant 0 : index
    %get3A_599 = vector.load %arg10[%get3A_597, %get3A_598] : memref<16x1xf32, #tpu.memory_space<vmem>>, vector<16x1xf32>
    %add3A_600 = vector.broadcast %get3A_599 : vector<16x1xf32> to vector<16x2048xf32>
    %add3A_601 = arith.addf %dot_general3A_596, %add3A_600 : vector<16x2048xf32>
    %swap3A = arith.constant 0 : index
    %swap3A_602 = arith.constant 0 : index
    %swap3A_603 = vector.load %arg11[%swap3A, %swap3A_602] : memref<16x2048xf32, #tpu.memory_space<vmem>>, vector<16x2048xf32>
    tpu.vector_store %arg11[%swap3A, %swap3A_602], %add3A_601 {strides = array<i32>} : memref<16x2048xf32, #tpu.memory_space<vmem>>, vector<16x2048xf32>,
    return
  }
  func.func @transform_0(%arg0: i32, %arg1: i32) -> (i32, i32) {
    %c0_i32 = arith.constant 0 : i32
    return %arg0, %arg1 : i32, i32
  }
  func.func @transform_1(%arg0: i32, %arg1: i32) -> (i32, i32) {
    %c0_i32 = arith.constant 0 : i32
    %c0_i32_0 = arith.constant 0 : i32
    %c0_i32_1 = arith.constant 0 : i32
    return %c0_i32, %c0_i32_0 : i32, i32
  }
  func.func @transform_2(%arg0: i32, %arg1: i32) -> (i32, i32) {
    %c0_i32 = arith.constant 0 : i32
    %c0_i32_0 = arith.constant 0 : i32
    %c0_i32_1 = arith.constant 0 : i32
    return %c0_i32, %c0_i32_0 : i32, i32
  }
  func.func @transform_3(%arg0: i32, %arg1: i32) -> (i32, i32) {
    %c0_i32 = arith.constant 0 : i32
    %c0_i32_0 = arith.constant 0 : i32
    %c0_i32_1 = arith.constant 0 : i32
    return %c0_i32, %c0_i32_0 : i32, i32
  }
  func.func @transform_4(%arg0: i32, %arg1: i32) -> (i32, i32) {
    %c0_i32 = arith.constant 0 : i32
    %c0_i32_0 = arith.constant 0 : i32
    %c0_i32_1 = arith.constant 0 : i32
    return %c0_i32, %c0_i32_0 : i32, i32
  }
  func.func @transform_5(%arg0: i32, %arg1: i32) -> (i32, i32) {
    %c0_i32 = arith.constant 0 : i32
    %c0_i32_0 = arith.constant 0 : i32
    %c0_i32_1 = arith.constant 0 : i32
    return %c0_i32, %c0_i32_0 : i32, i32
  }
  func.func @transform_6(%arg0: i32, %arg1: i32) -> (i32, i32) {
    %c0_i32 = arith.constant 0 : i32
    %c0_i32_0 = arith.constant 0 : i32
    %c0_i32_1 = arith.constant 0 : i32
    return %c0_i32, %c0_i32_0 : i32, i32
  }
  func.func @transform_7(%arg0: i32, %arg1: i32) -> (i32, i32) {
    %c0_i32 = arith.constant 0 : i32
    %c0_i32_0 = arith.constant 0 : i32
    %c0_i32_1 = arith.constant 0 : i32
    return %c0_i32, %c0_i32_0 : i32, i32
  }
  func.func @transform_8(%arg0: i32, %arg1: i32) -> (i32, i32) {
    %c0_i32 = arith.constant 0 : i32
    %c0_i32_0 = arith.constant 0 : i32
    %c0_i32_1 = arith.constant 0 : i32
    return %c0_i32, %c0_i32_0 : i32, i32
  }
  func.func @transform_9(%arg0: i32, %arg1: i32) -> (i32, i32) {
    %c0_i32 = arith.constant 0 : i32
    return %arg0, %arg1 : i32, i32
  }
}

</mosaic_0001>

<sc_bundles>
// kernel: kernel.6.cloned.1.call-start
scs
__scs_entry_jumppad:
0x0: {  	(pc) =	sbr.rel $0x88, $3  }
0x1: {  	(tag) =	ssettag $0x0;
	lr =	simm.s32 $0x1  }
0x2: {  	[smem:$0x3F96] =	sst lr;
	_ =	strace $0xD0000000  }
0x3: {  	_ = 	snop  }
0x4: {  	_ = 	snop  }
0x5: {  	_ = 	snop  }
0x6: {  	_ = 	snop  }
0x7: {  	_ = 	snop  }
__scs_overlays_trampoline_lowered:
0x8: {  	[smem:$0x3FA5] =	sst s0  }
0x9: {  	[smem:$0x3FA6] =	sst s1  }
0xa: {  	[smem:$0x3FA7] =	sst s2  }
0xb: {  	[smem:$0x3FA8] =	sst s3  }
0xc: {  	[smem:$0x3FA9] =	sst s4  }
0xd: {  	[smem:$0x3FAA] =	sst s5  }
0xe: {  	[smem:$0x3FAB] =	sst s6  }
0xf: {  	[smem:$0x3FAC] =	sst s7  }
0x10: {  	[smem:$0x3FAD] =	sst s8  }
0x11: {  	[smem:$0x3FAE] =	sst s9;
	s0 =	simm.s32 @!p0 $0x0  }
0x12: {  	s1 =	sld [smem:$0x3F94];
	s0 =	simm.s32 @p0 $0x1  }
0x13: {  	[smem:$0x3FAF] =	sst s0;
	s0 =	simm.s32 @!p1 $0x0  }
0x14: {  	s2 =	sld [smem:$0x3F93];
	s0 =	simm.s32 @p1 $0x1  }
0x15: {  	[smem:$0x3FB0] =	sst s0;
	s0 =	simm.s32 @!p2 $0x0  }
0x16: {  	s3 =	sld [smem:$0x3FDB];
	s0 =	simm.s32 @p2 $0x1  }
0x17: {  	s4 =	simm.s32 $0x1BF5;
	[smem:$0x3FB2] =	sst s0  }
0x18: {  	s0 =	sld [smem:$0x3F95];
	_ =	swait.ge [sflag:s4], $0x0  }
0x19: {  	s7 =	sld [smem:$0x3F96]  }
0x1a: {  	s8 =	sadd.s32 $0xFFFFE003, lr  }
0x1b: {  	s9 =	sadd.s32 $0xFFFFFEF7, lr;
	s5 =	simm.s32 $0xFFFFFFFF;
	p2 =	slt.u32 s8, $0xFFFFF086  }
0x1c: {  	p1 =	slt.u32 s9, $0xF7A;
	s5 =	simm.s32 @!p2 $0x0  }
0x1d: {  	s5 =	simm.s32 @p1 $0x1;
	p0 =	seq.s32 s7, s2  }
0x1e: {  	s7 =	smul.u32 @!p0 $0xF7A, s2;
	p2 =	seq.s32 @!p0 s5, $0x0  }
0x1f: {  	s9 =	smul.u32 $0xF7A, s1;
	s8 =	simm.s32 @!p0 $0x1BF5;
	p2 =	por !p2, p0  }
0x20: {  	[sflag:s8] =	ssyncset.s32 @!p0 $0xFFFFF086;
	s6 =	sadd.s32 @!p0 s3, s7;
	s7 =	simm.s32 @!p0 $0x108  }
0x21: {  	s3 =	sadd.s32 s3, s9;
	s6 =	sadd.s32 @!p0 $0x88, s6;
	s7 =	simm.s32 @p2 $0x1082  }
0x22: {  	[simem:s7], [sflag:s8] =	dma.local @!p0 [hbm:s6], $0xF7A  }
0x23: {  	s9 =	sor.u32 $0xD0000000, s2;
	s6 =	simm.s32 $0x108;
	_ =	swait.ge @!p0 [sflag:s8], $0x0  }
0x24: {  	s3 =	sadd.s32 $0x88, s3;
	s6 =	simm.s32 @!p1 $0x1082;
	[sflag:s4] =	ssyncset.s32 $0xFFFFF086  }
0x25: {  	[simem:s6], [sflag:s4] =	dma.local [hbm:s3], $0xF7A  }
0x26: {  	[smem:$0x3F96] =	sst s1;
	(tag) =	ssettag s2;
	_ =	strace s9  }
0x27: {  	s1 =	sld [smem:$0x3FA6]  }
0x28: {  	s2 =	sld [smem:$0x3FA7]  }
0x29: {  	s4 =	sld [smem:$0x3FA9]  }
0x2a: {  	p0 =	seq.s32 s5, $0x0;
	s5 =	sld [smem:$0x3FAA]  }
0x2b: {  	s6 =	sld [smem:$0x3FAB]  }
0x2c: {  	s7 =	sld [smem:$0x3FAC]  }
0x2d: {  	s3 =	simm.s32 $0x108;
	s8 =	sld [smem:$0x3FAD]  }
0x2e: {  	s3 =	simm.s32 @!p0 $0x1082;
	s9 =	sld [smem:$0x3FAE]  }
0x2f: {  	lr =	sadd.s32 s0, s3;
	s0 =	sld [smem:$0x3FA5]  }
0x30: {  	s3 =	sld [smem:$0x3FA8]  }
0x31: {  	[smem:$0x3FB1] =	sst s10  }
0x32: {  	s10 =	sld [smem:$0x3FAF];
	_ =	sdelay $0x3  }
0x33: {  	p0 =	seq.s32 s10, $0x1;
	s10 =	sld [smem:$0x3FB1];
	_ =	sdelay $0x3  }
0x34: {  	[smem:$0x3FB1] =	sst s10  }
0x35: {  	s10 =	sld [smem:$0x3FB0];
	_ =	sdelay $0x3  }
0x36: {  	p1 =	seq.s32 s10, $0x1;
	s10 =	sld [smem:$0x3FB1];
	_ =	sdelay $0x3  }
0x37: {  	[smem:$0x3FB1] =	sst s10  }
0x38: {  	s10 =	sld [smem:$0x3FB2]  }
0x39: {  	_ = 	snop;
	(pc) =	sbr.ind lr, $3  }
0x3a: {  	_ = 	snop  }
0x3b: {  	_ = 	snop  }
0x3c: {  	p2 =	seq.s32 s10, $0x1;
	s10 =	sld [smem:$0x3FB1]  }
0x3d: {  	_ =	shalt  }
0x3e: {  	_ =	shalt  }
0x3f: {  	_ =	shalt  }
0x40: {  	_ =	shalt  }
0x41: {  	_ =	shalt  }
0x42: {  	_ =	shalt  }
0x43: {  	_ =	shalt  }
0x44: {  	_ =	shalt  }
0x45: {  	_ =	shalt  }
0x46: {  	_ =	shalt  }
0x47: {  	_ =	shalt  }
0x48: {  	_ =	shalt  }
0x49: {  	_ =	shalt  }
0x4a: {  	_ =	shalt  }
0x4b: {  	_ =	shalt  }
0x4c: {  	_ =	shalt  }
0x4d: {  	_ =	shalt  }
0x4e: {  	_ =	shalt  }
0x4f: {  	_ =	shalt  }
0x50: {  	_ =	shalt  }
0x51: {  	_ =	shalt  }
0x52: {  	_ =	shalt  }
0x53: {  	_ =	shalt  }
0x54: {  	_ =	shalt  }
0x55: {  	_ =	shalt  }
0x56: {  	_ =	shalt  }
0x57: {  	_ =	shalt  }
0x58: {  	_ =	shalt  }
0x59: {  	_ =	shalt  }
0x5a: {  	_ =	shalt  }
0x5b: {  	_ =	shalt  }
0x5c: {  	_ =	shalt  }
0x5d: {  	_ =	shalt  }
0x5e: {  	_ =	shalt  }
0x5f: {  	_ =	shalt  }
0x60: {  	_ =	shalt  }
0x61: {  	_ =	shalt  }
0x62: {  	_ =	shalt  }
0x63: {  	_ =	shalt  }
0x64: {  	_ =	shalt  }
0x65: {  	_ =	shalt  }
0x66: {  	_ =	shalt  }
0x67: {  	_ =	shalt  }
0x68: {  	_ =	shalt  }
0x69: {  	_ =	shalt  }
0x6a: {  	_ =	shalt  }
0x6b: {  	_ =	shalt  }
0x6c: {  	_ =	shalt  }
0x6d: {  	_ =	shalt  }
0x6e: {  	_ =	shalt  }
0x6f: {  	_ =	shalt  }
0x70: {  	_ =	shalt  }
0x71: {  	_ =	shalt  }
0x72: {  	_ =	shalt  }
0x73: {  	_ =	shalt  }
0x74: {  	_ =	shalt  }
0x75: {  	_ =	shalt  }
0x76: {  	_ =	shalt  }
0x77: {  	_ =	shalt  }
0x78: {  	_ =	shalt  }
0x79: {  	_ =	shalt  }
0x7a: {  	_ =	shalt  }
0x7b: {  	_ =	shalt  }
0x7c: {  	_ =	shalt  }
0x7d: {  	_ =	shalt  }
0x7e: {  	_ =	shalt  }
0x7f: {  	_ =	shalt  }
0x80: {  	_ =	shalt  }
0x81: {  	_ =	shalt  }
0x82: {  	_ =	shalt  }
0x83: {  	_ =	shalt  }
0x84: {  	_ =	shalt  }
0x85: {  	_ =	shalt  }
0x86: {  	_ =	shalt  }
0x87: {  	_ =	shalt  }
.Lfunc_end0:
.L_simem_size_0:
called_computation_lowered:
.L_overlay_start_0:
0x88: {  	s2 =	sld [smem:$0x3FD9]  }
0x89: {  	s3 =	sld [smem:$0x3FFE];
	_ =	sdelay $0x1  }
0x8a: {  	s1 =	srdreg.scid  }
0x8b: {  	s0 =	sand.u32 $0x1, s1  }
0x8c: {  	s17 =	sshll.u32 s0, $0xA;
	s2 =	sadd.s32 s3, s2  }
0x8d: {  	s2 =	sadd.s32 s2, s17  }
0x8e: {  	[smem:$0x3FBD] =	sst s2  }
0x8f: {  	_ = 	snop  }
0x90: {  	s2 =	sld [smem:$0x3FC7];
	(tm) =	ssettm $0x1  }
0x91: {  	s18 =	sld [smem:$0x3FFB];
	_ =	sdelay $0x3  }
0x92: {  	_ =	strace s18  }
0x93: {  	s3 =	sld [smem:$0x3FFC];
	_ =	sdelay $0x3  }
0x94: {  	_ =	strace s3  }
0x95: {  	s3 =	sld [smem:$0x3FFD];
	_ =	sdelay $0x3  }
0x96: {  	_ =	strace s3  }
0x97: {  	_ =	strace $0x8FFFFFFF  }
0x98: {  	s19 =	sld [smem:$0x3FDB];
	_ =	sdelay $0x1  }
0x99: {  	s4 =	simm.s32 $_scs_section_size  }
0x9a: {  	s5 =	simm.s32 $_size__tile_overlayer_lowered;
	s6 =	simm.s32 $_tile_overlayer_lowered  }
0x9b: {  	s22 =	simm.s32 $0x1BFF;
	s21 =	sshll.u32 s6, $0x1;
	s3 =	sadd.s32 s4, s19  }
0x9c: {  	s7 =	simm.s32 $0x0;
	s20 =	sshll.u32 s5, $0x1;
	s5 =	sadd.s32 s21, s3  }
0x9d: {  	[timem:s7], [sflag:s22] =	dma.local [hbm:s5], s20  }
0x9e: {  	_ =	swait.ge [sflag:s22], s20  }
0x9f: {  	s4 =	ssub.s32 $0x0, s20;
	[sflag:s22] =	ssyncset.done $0x0  }
0xa0: {  	[sflag:s22] =	ssyncadd.s32 s4;
	_ =	sdelay $0x1  }
0xa1: {  	s23 =	simm.s32 $0x1B8B  }
0xa2: {  	_ =	swait.ge [sflag:s23], $0x1  }
0xa3: {  	[sflag:s23] =	ssyncset.done $0x0  }
0xa4: {  	s25 =	simm.s32 $0x1B8E;
	s24 =	sld [smem:$0x3FFE];
	[sflag:s23] =	ssyncadd.s32 $0xFFFFFFFF  }
0xa5: {  	s26 =	simm.s32 $execute0_lowered;
	[smem:$0x3FD2] =	sst s25  }
0xa6: {  	s5 =	sshll.u32 s26, $0x1;
	_ =	strace $0x80000046;
	[dreg:$0x1] =	wrdreg $0xFFFFFFFF  }
0xa7: {  	s28 =	simm.s32 $_size_execute0_lowered;
	s3 =	sadd.s32 s3, s5;
	[dreg:$0x0] =	wrdreg $0x0  }
0xa8: {  	s5 =	sshll.u32 s28, $0x1;
	[dreg:$0x2] =	wrdreg s3  }
0xa9: {  	[dreg:$0x3] =	wrdreg s5  }
0xaa: {  	[dreg:$0x4] =	wrdreg $0xC0  }
0xab: {  	_ =	task [dreg:s7], $0x5FFFF  }
0xac: {  	[dreg:$0x1] =	wrdreg $0xFFFFFFFF  }
0xad: {  	[dreg:$0x0] =	wrdreg $0x60  }
0xae: {  	[dreg:$0x2] =	wrdreg s24  }
0xaf: {  	[dreg:$0x3] =	wrdreg s2  }
0xb0: {  	[dreg:$0x4] =	wrdreg $0x62980  }
0xb1: {  	[dreg:$0x5] =	wrdreg $0x9  }
0xb2: {  	_ =	task.clear_ibuf [dreg:s7], $0x6FFFF;
	_ =	strace $0x90000046  }
0xb3: {  	s29 =	simm.s32 $0x9;
	_ =	strace $0x80000048  }
0xb4: {  	_ =	swait.ge [sflag:s29], $0x1  }
0xb5: {  	[sflag:s29] =	ssyncadd.s32 $0xFFFFFFFF  }
0xb6: {  	_ =	strace $0x90000048  }
0xb7: {  	_ =	sfence  }
0xb8: {  	s30 =	sld [smem:$0x0];
	_ =	sdelay $0x2  }
0xb9: {  	s31 =	sshll.u32 s1, $0xD;
	s1 =	sshrl.u32 s1, $0x2  }
0xba: {  	s3 =	sand.u32 $0x4000, s31;
	s1 =	sadd.s32 s1, s30  }
0xbb: {  	s0 =	sor.u32 s3, s0;
	s1 =	sshll.u32 s1, $0x11  }
0xbc: {  	s0 =	sor.u32 s1, s0  }
0xbd: {  	s0 =	sadd.s32 $0x8F2B, s0  }
0xbe: {  	[sflag:s0] =	ssyncadd.remote.s32 $0x1  }
0xbf: {  	_ =	sfence.sel $0xFFFF  }
0xc0: {  	[dreg:$0x0] =	wrdreg $0xFFFFFFFF;
	(pc) =	sbr.abs _section_cstart, $3  }
0xc1: {  	[dreg:$0x1] =	wrdreg $0xFFFFFFFF  }
0xc2: {  	_ =	task.clear_ibuf [dreg:s7], $0x2FFFF;
	_ =	strace $0x9FFFFFFF  }
0xc3: {  	(tm) =	ssettm $0x7FFFFFFF  }
tec
execute0_lowered:
.L_overlay_start_1:
0x0: {  	(tag) =	ssettag $0x1  }
0x1: {  	s4 =	rddreg [dreg:$0x0]  }
0x2: {  	s0 =	srdreg.scid;
	s5 =	rddreg [dreg:$0x1]  }
0x3: {  	s2 =	rddreg [dreg:$0x2];
	s1 =	stileid.u32;
	s6 =	sand.u32 $0x1, s0  }
0x4: {  	s3 =	simm.s32 $0x0;
	s12 =	simm.s32 $0x4F10;
	s7 =	sshll.u32 s6, $0x4  }
0x5: {  	s13 =	simm.s32 $0x0;
	s11 =	smul.u32 $0x2800, s1;
	s7 =	sor.u32 s1, s7  }
0x6: {  	s0 =	rddreg [dreg:$0x3];
	s6 =	ssub.s32 $0x2, s6;
	s8 =	smul.u32 $0x271, s7  }
0x7: {  	[smem:$0x7FF] =	sst s3;
	s10 =	sshrl.u32 s6, $0x1;
	s7 =	smul.u32 $0x500, s7  }
0x8: {  	_ =	strace $0x80000047;
	s10 =	ssub.s32 s6, s10;
	s6 =	sadd.s32 s11, s2  }
0x9: {  	v0 =	vmov s11;
	s11 =	simm.s32 $0x2710;
	s9 =	sadd.s32 s8, s4;
	s7 =	sadd.s32 s7, s4  }
0xa: {  	s5 =	sadd.s32 s5, s8;
	s8 =	smax.u32 s10, $0x1;
	s10 =	simm.s32 $0x1388  }
0xb: {  	v1 =	vimm.f32 $0.0e+00;
	s4 =	sadd.s32 $0x6200, s9;
	s7 =	sadd.s32 $0xB200, s7;
	s9 =	simm.s32 $0x1  }
.LBB2_1:
0xc: {  	[tilespmem:s3], [sflag:$0x1] =	stream.linear.gather [hbm4b:s4+s3], $0x1388, $0x38;
	[tilespmem:$0x8A98] =	vst v63  }
0xd: {  	_ =	swait.ge [sflag:s9], $0x1388  }
0xe: {  	[sflag:s9] =	ssyncset.done $0x0  }
0xf: {  	[sflag:s9] =	ssyncadd.s32 $0xFFFFEC78  }
0x10: {  	[tilespmem:s10], [sflag:$0x1] =	stream.linear.gather [hbm4b:s5+s3], $0x1388, $0x38;
	[tilespmem:$0x8A98] =	vst v63  }
0x11: {  	_ =	swait.ge [sflag:s9], $0x1388  }
0x12: {  	[sflag:s9] =	ssyncset.done $0x0  }
0x13: {  	s14 =	simm.s32 $0x40;
	s15 =	simm.s32 $0x0;
	[sflag:s9] =	ssyncadd.s32 $0xFFFFEC78  }
.LBB2_2:
0x14: {  	p0 =	sne.s32 s14, $0x9FC0;
	[tilespmem:s15+$0x2710] =	vst v1;
	s15 =	smov.u32 s14;
	s14 =	sadd.s32 $0x40, s14  }
.Ltmp0:
0x15: {  	(pc) =	sbr.rel @p0 .LBB2_2-.Ltmp0, $2  }
0x16: {  	_ =	sdelay $0x2  }
0x17: {  	s15 =	sshra.s32 s15, $0x2  }
0x18: {  	[tilespmem:s15+$0x2710] =	vst v1  }
0x19: {  	[spmem:s6] =	stream.linear.scatter [tilespmem:s11], [sflag:$0x1], $0x2800, $0x38;
	[tilespmem:$0x8A98] =	vst v63  }
0x1a: {  	_ =	swait.ge [sflag:s9], $0x2800  }
0x1b: {  	[sflag:s9] =	ssyncset.done $0x0  }
0x1c: {  	s14 =	simm.s32 $0x0;
	[sflag:s9] =	ssyncadd.s32 $0xFFFFD800  }
0x1d: {  	s15 =	simm.s32 $0x40;
	v2 =	vld [tilespmem:s14+$0x0]  }
.LBB2_4:
0x1e: {  	p0 =	sne.s32 s15, $0x4DC0  }
.Ltmp1:
0x1f: {  	_ = 	snop;
	(pc) =	sbr.rel @p0 .LBB2_4-.Ltmp1, $3  }
0x20: {  	_ =	sdelay $0x1  }
0x21: {  	s16 =	sshra.s32 s15, $0x2;
	s15 =	sadd.s32 $0x40, s15;
	v3 =	vadd.s32 v0, v2  }
0x22: {  	v2 =	vld [tilespmem:s16+$0x0];
	[tilespmem:s14+$0x4F10] =	vst v3;
	s14 =	smov.u32 s16  }
0x23: {  	_ =	sdelay $0x3  }
0x24: {  	v2 =	vadd.s32 v0, v2  }
0x25: {  	[tilespmem:s14+$0x4F10] =	vst v2  }
0x26: {  	v2 =	vld [tilespmem:$0x1378];
	_ =	sdelay $0x4  }
0x27: {  	v2 =	vadd.s32 v0, v2  }
0x28: {  	[tilespmem:$0x6288] =	vst v2  }
0x29: {  	[spmem:s2] =	stream.indirect.scatter.add.f32 [tilespmem:s10], [sflag:$0x1], $0x1, s12, s10, $0xb8;
	[tilespmem:$0x8A98] =	vst v63  }
0x2a: {  	_ =	swait.ge [sflag:s9], $0x1388  }
0x2b: {  	[sflag:s9] =	ssyncset.done $0x0  }
0x2c: {  	[sflag:s9] =	ssyncadd.s32 $0xFFFFEC78  }
0x2d: {  	[tilespmem:s11], [sflag:$0x1] =	stream.linear.gather [spmem:s6], $0x2800, $0x38;
	[tilespmem:$0x8A98] =	vst v63  }
0x2e: {  	s13 =	sadd.s32 $0x1, s13;
	_ =	swait.ge [sflag:s9], $0x2800  }
0x2f: {  	p0 =	sne.s32 s13, s8;
	[sflag:s9] =	ssyncset.done $0x0  }
.Ltmp2:
0x30: {  	[sflag:s9] =	ssyncadd.s32 $0xFFFFD800;
	(pc) =	sbr.rel @p0 .LBB2_1-.Ltmp2, $4  }
0x31: {  	[hbm4b:s7+s3] =	stream.linear.scatter [tilespmem:s11], [sflag:$0x1], $0x2800, $0x38;
	[tilespmem:$0x8A98] =	vst v63  }
0x32: {  	_ =	swait.ge [sflag:s9], $0x2800  }
0x33: {  	[sflag:s9] =	ssyncset.done $0x0  }
0x34: {  	[sflag:s9] =	ssyncadd.s32 $0xFFFFD800  }
0x35: {  	_ =	sfence.sel $0x180000  }
0x36: {  	[bflag:$0x0] =	sbarrier.arrive $0xFFFF  }
0x37: {  	p0 =	sne.s32 s1, $0x0;
	_ =	strace $0x90000047  }
0x38: {  	s0 =	sadd.s32 @!p0 $0x100000, s0;
	[bflag:$0x2] =	sbarrier.arrive $0xFFFF  }
0x39: {  	[sflag:s0] =	ssyncadd.tile.s32 @!p0 $0x1;
	_ =	shalt  }
.Lfunc_end2:
_tile_overlayer_lowered:
.L_overlay_start_2:
0x3a: {  	(tag) =	ssettag $0x2  }
0x3b: {  	s0 =	rddreg [dreg:$0x0];
	s2 =	stileid.u32  }
0x3c: {  	s1 =	rddreg [dreg:$0x1];
	p0 =	sne.s32 s2, $0x0  }
0x3d: {  	s3 =	rddreg [dreg:$0x2];
	[bflag:$0x3] =	sbarrier.arrive $0xFFFF;
	s2 =	simm.s32 @!p0 $0x1C01  }
0x3e: {  	[timem:s3], [sflag:s2] =	dma.local @!p0 [hbm:s0], s1  }
0x3f: {  	s0 =	simm.s32 @!p0 $0x1  }
0x40: {  	_ =	swait.ge @!p0 [sflag:s0], s1  }
0x41: {  	s1 =	ssub.s32 @!p0 $0x0, s1;
	[sflag:s0] =	ssyncset.done @!p0 $0x0  }
0x42: {  	[sflag:s0] =	ssyncadd.s32 @!p0 s1  }
0x43: {  	[bflag:$0x3] =	sbarrier.arrive $0xFFFF  }
0x44: {  	_ =	shalt  }

// kernel: kernel.9.cloned.1.call-start
scs
__scs_entry_jumppad:
0x0: {  	(pc) =	sbr.rel $0x88, $3  }
0x1: {  	(tag) =	ssettag $0x0;
	lr =	simm.s32 $0x1  }
0x2: {  	[smem:$0x3F96] =	sst lr;
	_ =	strace $0xD0000000  }
0x3: {  	_ = 	snop  }
0x4: {  	_ = 	snop  }
0x5: {  	_ = 	snop  }
0x6: {  	_ = 	snop  }
0x7: {  	_ = 	snop  }
__scs_overlays_trampoline_lowered:
0x8: {  	[smem:$0x3FA5] =	sst s0  }
0x9: {  	[smem:$0x3FA6] =	sst s1  }
0xa: {  	[smem:$0x3FA7] =	sst s2  }
0xb: {  	[smem:$0x3FA8] =	sst s3  }
0xc: {  	[smem:$0x3FA9] =	sst s4  }
0xd: {  	[smem:$0x3FAA] =	sst s5  }
0xe: {  	[smem:$0x3FAB] =	sst s6  }
0xf: {  	[smem:$0x3FAC] =	sst s7  }
0x10: {  	[smem:$0x3FAD] =	sst s8  }
0x11: {  	[smem:$0x3FAE] =	sst s9;
	s0 =	simm.s32 @!p0 $0x0  }
0x12: {  	s1 =	sld [smem:$0x3F94];
	s0 =	simm.s32 @p0 $0x1  }
0x13: {  	[smem:$0x3FAF] =	sst s0;
	s0 =	simm.s32 @!p1 $0x0  }
0x14: {  	s2 =	sld [smem:$0x3F93];
	s0 =	simm.s32 @p1 $0x1  }
0x15: {  	[smem:$0x3FB0] =	sst s0;
	s0 =	simm.s32 @!p2 $0x0  }
0x16: {  	s3 =	sld [smem:$0x3FDB];
	s0 =	simm.s32 @p2 $0x1  }
0x17: {  	s4 =	simm.s32 $0x1BF5;
	[smem:$0x3FB2] =	sst s0  }
0x18: {  	s0 =	sld [smem:$0x3F95];
	_ =	swait.ge [sflag:s4], $0x0  }
0x19: {  	s7 =	sld [smem:$0x3F96]  }
0x1a: {  	s8 =	sadd.s32 $0xFFFFE003, lr  }
0x1b: {  	s9 =	sadd.s32 $0xFFFFFEF7, lr;
	s5 =	simm.s32 $0xFFFFFFFF;
	p2 =	slt.u32 s8, $0xFFFFF086  }
0x1c: {  	p1 =	slt.u32 s9, $0xF7A;
	s5 =	simm.s32 @!p2 $0x0  }
0x1d: {  	s5 =	simm.s32 @p1 $0x1;
	p0 =	seq.s32 s7, s2  }
0x1e: {  	s7 =	smul.u32 @!p0 $0xF7A, s2;
	p2 =	seq.s32 @!p0 s5, $0x0  }
0x1f: {  	s9 =	smul.u32 $0xF7A, s1;
	s8 =	simm.s32 @!p0 $0x1BF5;
	p2 =	por !p2, p0  }
0x20: {  	[sflag:s8] =	ssyncset.s32 @!p0 $0xFFFFF086;
	s6 =	sadd.s32 @!p0 s3, s7;
	s7 =	simm.s32 @!p0 $0x108  }
0x21: {  	s3 =	sadd.s32 s3, s9;
	s6 =	sadd.s32 @!p0 $0x88, s6;
	s7 =	simm.s32 @p2 $0x1082  }
0x22: {  	[simem:s7], [sflag:s8] =	dma.local @!p0 [hbm:s6], $0xF7A  }
0x23: {  	s9 =	sor.u32 $0xD0000000, s2;
	s6 =	simm.s32 $0x108;
	_ =	swait.ge @!p0 [sflag:s8], $0x0  }
0x24: {  	s3 =	sadd.s32 $0x88, s3;
	s6 =	simm.s32 @!p1 $0x1082;
	[sflag:s4] =	ssyncset.s32 $0xFFFFF086  }
0x25: {  	[simem:s6], [sflag:s4] =	dma.local [hbm:s3], $0xF7A  }
0x26: {  	[smem:$0x3F96] =	sst s1;
	(tag) =	ssettag s2;
	_ =	strace s9  }
0x27: {  	s1 =	sld [smem:$0x3FA6]  }
0x28: {  	s2 =	sld [smem:$0x3FA7]  }
0x29: {  	s4 =	sld [smem:$0x3FA9]  }
0x2a: {  	p0 =	seq.s32 s5, $0x0;
	s5 =	sld [smem:$0x3FAA]  }
0x2b: {  	s6 =	sld [smem:$0x3FAB]  }
0x2c: {  	s7 =	sld [smem:$0x3FAC]  }
0x2d: {  	s3 =	simm.s32 $0x108;
	s8 =	sld [smem:$0x3FAD]  }
0x2e: {  	s3 =	simm.s32 @!p0 $0x1082;
	s9 =	sld [smem:$0x3FAE]  }
0x2f: {  	lr =	sadd.s32 s0, s3;
	s0 =	sld [smem:$0x3FA5]  }
0x30: {  	s3 =	sld [smem:$0x3FA8]  }
0x31: {  	[smem:$0x3FB1] =	sst s10  }
0x32: {  	s10 =	sld [smem:$0x3FAF];
	_ =	sdelay $0x3  }
0x33: {  	p0 =	seq.s32 s10, $0x1;
	s10 =	sld [smem:$0x3FB1];
	_ =	sdelay $0x3  }
0x34: {  	[smem:$0x3FB1] =	sst s10  }
0x35: {  	s10 =	sld [smem:$0x3FB0];
	_ =	sdelay $0x3  }
0x36: {  	p1 =	seq.s32 s10, $0x1;
	s10 =	sld [smem:$0x3FB1];
	_ =	sdelay $0x3  }
0x37: {  	[smem:$0x3FB1] =	sst s10  }
0x38: {  	s10 =	sld [smem:$0x3FB2]  }
0x39: {  	_ = 	snop;
	(pc) =	sbr.ind lr, $3  }
0x3a: {  	_ = 	snop  }
0x3b: {  	_ = 	snop  }
0x3c: {  	p2 =	seq.s32 s10, $0x1;
	s10 =	sld [smem:$0x3FB1]  }
0x3d: {  	_ =	shalt  }
0x3e: {  	_ =	shalt  }
0x3f: {  	_ =	shalt  }
0x40: {  	_ =	shalt  }
0x41: {  	_ =	shalt  }
0x42: {  	_ =	shalt  }
0x43: {  	_ =	shalt  }
0x44: {  	_ =	shalt  }
0x45: {  	_ =	shalt  }
0x46: {  	_ =	shalt  }
0x47: {  	_ =	shalt  }
0x48: {  	_ =	shalt  }
0x49: {  	_ =	shalt  }
0x4a: {  	_ =	shalt  }
0x4b: {  	_ =	shalt  }
0x4c: {  	_ =	shalt  }
0x4d: {  	_ =	shalt  }
0x4e: {  	_ =	shalt  }
0x4f: {  	_ =	shalt  }
0x50: {  	_ =	shalt  }
0x51: {  	_ =	shalt  }
0x52: {  	_ =	shalt  }
0x53: {  	_ =	shalt  }
0x54: {  	_ =	shalt  }
0x55: {  	_ =	shalt  }
0x56: {  	_ =	shalt  }
0x57: {  	_ =	shalt  }
0x58: {  	_ =	shalt  }
0x59: {  	_ =	shalt  }
0x5a: {  	_ =	shalt  }
0x5b: {  	_ =	shalt  }
0x5c: {  	_ =	shalt  }
0x5d: {  	_ =	shalt  }
0x5e: {  	_ =	shalt  }
0x5f: {  	_ =	shalt  }
0x60: {  	_ =	shalt  }
0x61: {  	_ =	shalt  }
0x62: {  	_ =	shalt  }
0x63: {  	_ =	shalt  }
0x64: {  	_ =	shalt  }
0x65: {  	_ =	shalt  }
0x66: {  	_ =	shalt  }
0x67: {  	_ =	shalt  }
0x68: {  	_ =	shalt  }
0x69: {  	_ =	shalt  }
0x6a: {  	_ =	shalt  }
0x6b: {  	_ =	shalt  }
0x6c: {  	_ =	shalt  }
0x6d: {  	_ =	shalt  }
0x6e: {  	_ =	shalt  }
0x6f: {  	_ =	shalt  }
0x70: {  	_ =	shalt  }
0x71: {  	_ =	shalt  }
0x72: {  	_ =	shalt  }
0x73: {  	_ =	shalt  }
0x74: {  	_ =	shalt  }
0x75: {  	_ =	shalt  }
0x76: {  	_ =	shalt  }
0x77: {  	_ =	shalt  }
0x78: {  	_ =	shalt  }
0x79: {  	_ =	shalt  }
0x7a: {  	_ =	shalt  }
0x7b: {  	_ =	shalt  }
0x7c: {  	_ =	shalt  }
0x7d: {  	_ =	shalt  }
0x7e: {  	_ =	shalt  }
0x7f: {  	_ =	shalt  }
0x80: {  	_ =	shalt  }
0x81: {  	_ =	shalt  }
0x82: {  	_ =	shalt  }
0x83: {  	_ =	shalt  }
0x84: {  	_ =	shalt  }
0x85: {  	_ =	shalt  }
0x86: {  	_ =	shalt  }
0x87: {  	_ =	shalt  }
.Lfunc_end0:
.L_simem_size_0:
called_computation.1_lowered:
.L_overlay_start_0:
0x88: {  	s2 =	sld [smem:$0x3FD9]  }
0x89: {  	s3 =	sld [smem:$0x3FFE];
	_ =	sdelay $0x1  }
0x8a: {  	s1 =	srdreg.scid  }
0x8b: {  	s0 =	sand.u32 $0x1, s1  }
0x8c: {  	s17 =	sshll.u32 s0, $0xA;
	s2 =	sadd.s32 s3, s2  }
0x8d: {  	s2 =	sadd.s32 s2, s17  }
0x8e: {  	[smem:$0x3FBD] =	sst s2  }
0x8f: {  	_ = 	snop  }
0x90: {  	s2 =	sld [smem:$0x3FC7]  }
0x91: {  	s18 =	sld [smem:$0x3FD0];
	(tm) =	ssettm $0x1  }
0x92: {  	s4 =	sld [smem:$0x3FFB];
	_ =	sdelay $0x3  }
0x93: {  	_ =	strace s4  }
0x94: {  	s4 =	sld [smem:$0x3FFC];
	_ =	sdelay $0x3  }
0x95: {  	_ =	strace s4  }
0x96: {  	s4 =	sld [smem:$0x3FFD];
	_ =	sdelay $0x3  }
0x97: {  	_ =	strace s4  }
0x98: {  	_ =	strace $0x8FFFFFFF  }
0x99: {  	s19 =	sld [smem:$0x3FDB];
	_ =	sdelay $0x1  }
0x9a: {  	s5 =	simm.s32 $_scs_section_size  }
0x9b: {  	s6 =	simm.s32 $_size__tile_overlayer_lowered;
	s7 =	simm.s32 $_tile_overlayer_lowered  }
0x9c: {  	s22 =	simm.s32 $0x1BFF;
	s21 =	sshll.u32 s7, $0x1;
	s4 =	sadd.s32 s5, s19  }
0x9d: {  	s8 =	simm.s32 $0x0;
	s20 =	sshll.u32 s6, $0x1;
	s6 =	sadd.s32 s21, s4  }
0x9e: {  	[timem:s8], [sflag:s22] =	dma.local [hbm:s6], s20  }
0x9f: {  	_ =	swait.ge [sflag:s22], s20  }
0xa0: {  	s5 =	ssub.s32 $0x0, s20;
	[sflag:s22] =	ssyncset.done $0x0  }
0xa1: {  	[sflag:s22] =	ssyncadd.s32 s5;
	_ =	sdelay $0x1  }
0xa2: {  	s23 =	simm.s32 $0x1B8B  }
0xa3: {  	_ =	swait.ge [sflag:s23], $0x1  }
0xa4: {  	[sflag:s23] =	ssyncset.done $0x0  }
0xa5: {  	s25 =	simm.s32 $0x1B8E;
	s24 =	sld [smem:$0x3FFE];
	[sflag:s23] =	ssyncadd.s32 $0xFFFFFFFF  }
0xa6: {  	s26 =	simm.s32 $execute0_lowered;
	[smem:$0x3FD2] =	sst s25  }
0xa7: {  	s6 =	sshll.u32 s26, $0x1;
	_ =	strace $0x80000049;
	[dreg:$0x1] =	wrdreg $0xFFFFFFFF  }
0xa8: {  	s28 =	simm.s32 $_size_execute0_lowered;
	s4 =	sadd.s32 s4, s6;
	[dreg:$0x0] =	wrdreg $0x0  }
0xa9: {  	s6 =	sshll.u32 s28, $0x1;
	[dreg:$0x2] =	wrdreg s4  }
0xaa: {  	[dreg:$0x3] =	wrdreg s6  }
0xab: {  	[dreg:$0x4] =	wrdreg $0xC0  }
0xac: {  	_ =	task [dreg:s8], $0x5FFFF  }
0xad: {  	[dreg:$0x1] =	wrdreg $0xFFFFFFFF  }
0xae: {  	[dreg:$0x0] =	wrdreg $0x60  }
0xaf: {  	[dreg:$0x2] =	wrdreg s18  }
0xb0: {  	[dreg:$0x3] =	wrdreg s24  }
0xb1: {  	[dreg:$0x4] =	wrdreg s2  }
0xb2: {  	[dreg:$0x5] =	wrdreg $0x1B0800  }
0xb3: {  	[dreg:$0x6] =	wrdreg $0x9  }
0xb4: {  	_ =	task.clear_ibuf [dreg:s8], $0x7FFFF;
	_ =	strace $0x90000049  }
0xb5: {  	s29 =	simm.s32 $0x9;
	_ =	strace $0x8000004B  }
0xb6: {  	_ =	swait.ge [sflag:s29], $0x1  }
0xb7: {  	[sflag:s29] =	ssyncadd.s32 $0xFFFFFFFF  }
0xb8: {  	_ =	strace $0x9000004B  }
0xb9: {  	_ =	sfence  }
0xba: {  	s30 =	sld [smem:$0x0];
	_ =	sdelay $0x2  }
0xbb: {  	s31 =	sshll.u32 s1, $0xD;
	s1 =	sshrl.u32 s1, $0x2  }
0xbc: {  	s3 =	sand.u32 $0x4000, s31;
	s1 =	sadd.s32 s1, s30  }
0xbd: {  	s0 =	sor.u32 s3, s0;
	s1 =	sshll.u32 s1, $0x11  }
0xbe: {  	s0 =	sor.u32 s1, s0  }
0xbf: {  	s0 =	sadd.s32 $0x8F2B, s0  }
0xc0: {  	[sflag:s0] =	ssyncadd.remote.s32 $0x1  }
0xc1: {  	_ =	sfence.sel $0xFFFF  }
0xc2: {  	[dreg:$0x0] =	wrdreg $0xFFFFFFFF;
	(pc) =	sbr.abs _section_cstart, $3  }
0xc3: {  	[dreg:$0x1] =	wrdreg $0xFFFFFFFF  }
0xc4: {  	_ =	task.clear_ibuf [dreg:s8], $0x2FFFF;
	_ =	strace $0x9FFFFFFF  }
0xc5: {  	(tm) =	ssettm $0x7FFFFFFF  }
tec
execute0_lowered:
.L_overlay_start_1:
0x0: {  	(tag) =	ssettag $0x1  }
0x1: {  	s5 =	stileid.u32  }
0x2: {  	p0 =	sgt.u32 s5, $0xB  }
.Ltmp0:
0x3: {  	s0 =	rddreg [dreg:$0x0];
	(pc) =	sbr.rel @p0 .LBB2_14-.Ltmp0, $4  }
0x4: {  	s1 =	rddreg [dreg:$0x1]  }
0x5: {  	s2 =	rddreg [dreg:$0x2];
	s4 =	simm.s32 $0x0  }
0x6: {  	[smem:$0x7FF] =	sst s4  }
0x7: {  	s3 =	rddreg [dreg:$0x3];
	_ =	strace $0x8000004A  }
0x8: {  	s5 =	srdreg.scid;
	s9 =	stileid.u32  }
0x9: {  	s24 =	sadd.s32 $0xB200, s1;
	s7 =	sadd.s32 $0x6200, s1;
	s11 =	sadd.s32 $0x15E8, s1  }
0xa: {  	s15 =	simm.s32 $0x5;
	s20 =	simm.s32 $0xD5C0;
	s21 =	simm.s32 $0xF500  }
0xb: {  	s22 =	simm.s32 $0x11440;
	s23 =	simm.s32 $0x1;
	s28 =	simm.s32 $0x2  }
0xc: {  	s29 =	simm.s32 $0x19140;
	s30 =	simm.s32 $0x17200;
	s31 =	simm.s32 $0x3  }
0xd: {  	s5 =	sand.u32 $0x1, s5;
	s16 =	smul.u32 $0x2800, s9;
	[dreg:$0x5] =	wrdreg s24  }
0xe: {  	[dreg:$0x6] =	wrdreg s11;
	s11 =	sadd.s32 $0x3E8, s2;
	s6 =	sshll.u32 s5, $0x4  }
0xf: {  	s10 =	smul.u32 $0xC, s5;
	s5 =	ssub.s32 $0x2, s5;
	s6 =	sor.u32 s9, s6  }
0x10: {  	s24 =	simm.s32 $0x1F40;
	s26 =	sshrl.u32 s5, $0x1;
	s8 =	smul.u32 $0x500, s6  }
0x11: {  	s6 =	sadd.s32 $0x1200, s1;
	s25 =	sadd.s32 s9, s10;
	s10 =	sadd.s32 $0x65E8, s1  }
0x12: {  	s13 =	smul.u32 $0x4E2, s25;
	s25 =	simm.s32 $0x152C0;
	s12 =	sadd.s32 s8, s1  }
0x13: {  	s8 =	sadd.s32 s16, s3;
	s1 =	ssub.s32 s5, s26;
	s26 =	simm.s32 $0x13380  }
0x14: {  	v0 =	vmov s16;
	s16 =	simm.s32 $0x0;
	s12 =	sadd.s32 $0xBC00, s12;
	s13 =	sadd.s32 s0, s13  }
0x15: {  	v1 =	vimm.f32 $0.0e+00;
	s14 =	smax.u32 s1, $0x1;
	s0 =	simm.s32 $0x4;
	s1 =	simm.s32 $0x5000  }
.LBB2_2:
0x16: {  	s5 =	simm.s32 $0x0  }
0x17: {  	[tilespmem:s5], [sflag:$0x5] =	stream.linear.gather [hbm4b:s13+s5], $0x2710, $0x38;
	[tilespmem:$0x1CE80] =	vst v63  }
0x18: {  	_ =	swait.ge [sflag:s15], $0x2710  }
0x19: {  	[sflag:s15] =	ssyncset.done $0x0  }
0x1a: {  	[sflag:s15] =	ssyncadd.s32 $0xFFFFD8F0  }
0x1b: {  	[tilespmem:$0x2710] =	vst v1  }
0x1c: {  	[tilespmem:$0x2720] =	vst v1  }
0x1d: {  	[tilespmem:$0x2730] =	vst v1  }
0x1e: {  	[tilespmem:$0x2740] =	vst v1  }
0x1f: {  	[tilespmem:$0x2750] =	vst v1  }
0x20: {  	[tilespmem:$0x2760] =	vst v1  }
0x21: {  	[tilespmem:$0x2770] =	vst v1  }
0x22: {  	[tilespmem:$0x2780] =	vst v1  }
0x23: {  	[tilespmem:$0x2790] =	vst v1  }
0x24: {  	[tilespmem:$0x27A0] =	vst v1  }
0x25: {  	[tilespmem:$0x27B0] =	vst v1  }
0x26: {  	[tilespmem:$0x27C0] =	vst v1  }
0x27: {  	[tilespmem:$0x27D0] =	vst v1  }
0x28: {  	[tilespmem:$0x27E0] =	vst v1  }
0x29: {  	s17 =	simm.s32 $0x2800;
	s9 =	rddreg [dreg:$0x5];
	[tilespmem:$0x27F0] =	vst v1  }
0x2a: {  	[tilespmem:s17], [sflag:$0x5] =	stream.linear.gather [hbm4b:s9+s5], $0x2800, $0x38;
	[tilespmem:$0x1CE80] =	vst v63  }
0x2b: {  	_ =	swait.ge [sflag:s15], $0x2800  }
0x2c: {  	[sflag:s15] =	ssyncset.done $0x0  }
0x2d: {  	s5 =	simm.s32 $0x0;
	[sflag:s15] =	ssyncadd.s32 $0xFFFFD800  }
0x2e: {  	s17 =	simm.s32 $0x40;
	v2 =	vld [tilespmem:s5+$0x2800]  }
.LBB2_3:
0x2f: {  	p0 =	sne.s32 s17, $0x9FC0;
	v3 =	vld [tilespmem:s5+$0x0];
	_ =	sdelay $0x2  }
.Ltmp1:
0x30: {  	(pc) =	sbr.rel @p0 .LBB2_3-.Ltmp1, $4  }
0x31: {  	_ = 	snop  }
0x32: {  	v3 =	vmul.f32 v3, v2  }
0x33: {  	s18 =	sshra.s32 s17, $0x2  }
0x34: {  	s17 =	sadd.s32 $0x40, s17;
	v2 =	vld [tilespmem:s18+$0x2800];
	[tilespmem:s5+$0x0] =	vst v3;
	s5 =	smov.u32 s18  }
0x35: {  	v3 =	vld [tilespmem:s5+$0x0];
	_ =	sdelay $0x4  }
0x36: {  	v2 =	vmul.f32 v3, v2;
	_ =	sdelay $0x1  }
0x37: {  	s17 =	simm.s32 $0x0;
	[tilespmem:s5+$0x0] =	vst v2  }
0x38: {  	[spmem:s8] =	stream.linear.scatter [tilespmem:s17], [sflag:$0x5], $0x2800, $0x38;
	[tilespmem:$0x1CE80] =	vst v63  }
0x39: {  	_ =	swait.ge [sflag:s15], $0x2800  }
0x3a: {  	[sflag:s15] =	ssyncset.done $0x0  }
0x3b: {  	s19 =	simm.s32 $0x7800;
	[sflag:s15] =	ssyncadd.s32 $0xFFFFD800  }
0x3c: {  	[tilespmem:s19], [sflag:$0x1] =	stream.linear.gather [hbm4b:s6+s17], $0x1F40, $0x38;
	[tilespmem:$0x1CE80] =	vst v63  }
0x3d: {  	s9 =	simm.s32 $0x9740  }
0x3e: {  	[tilespmem:s9], [sflag:$0x1] =	stream.linear.gather [hbm4b:s7+s17], $0x1F40, $0x38;
	[tilespmem:$0x1CE80] =	vst v63  }
0x3f: {  	s18 =	simm.s32 $0xB680  }
0x40: {  	[tilespmem:s18], [sflag:$0x1] =	stream.linear.gather [hbm4b:s2+s17], $0x1F40, $0x38;
	[tilespmem:$0x1CE80] =	vst v63  }
0x41: {  	s19 =	rddreg [dreg:$0x6]  }
0x42: {  	[tilespmem:s20], [sflag:$0x2] =	stream.linear.gather [hbm4b:s19+s17], $0x1F40, $0x38;
	[tilespmem:$0x1CE80] =	vst v63  }
0x43: {  	_ = 	snop  }
0x44: {  	[tilespmem:s21], [sflag:$0x2] =	stream.linear.gather [hbm4b:s10+s17], $0x1F40, $0x38;
	[tilespmem:$0x1CE80] =	vst v63  }
0x45: {  	_ = 	snop  }
0x46: {  	[tilespmem:s22], [sflag:$0x2] =	stream.linear.gather [hbm4b:s11+s17], $0x1F40, $0x38;
	[tilespmem:$0x1CE80] =	vst v63  }
.LBB2_5:
0x47: {  	_ =	swait.ge [sflag:s23], $0x1F40  }
0x48: {  	[sflag:s23] =	ssyncset.done $0x0  }
0x49: {  	[sflag:s23] =	ssyncadd.s32 $0xFFFFE0C0  }
0x4a: {  	_ =	swait.ge [sflag:s23], $0x1F40  }
0x4b: {  	[sflag:s23] =	ssyncset.done $0x0  }
0x4c: {  	[sflag:s23] =	ssyncadd.s32 $0xFFFFE0C0  }
0x4d: {  	_ =	swait.ge [sflag:s23], $0x1F40  }
0x4e: {  	p0 =	seq.s32 s17, $0x0;
	[sflag:s23] =	ssyncset.done $0x0  }
0x4f: {  	s5 =	simm.s32 @!p0 $0x3;
	[sflag:s23] =	ssyncadd.s32 $0xFFFFE0C0  }
0x50: {  	_ =	swait.ge @!p0 [sflag:s5], $0x1F40  }
0x51: {  	[sflag:s5] =	ssyncset.done @!p0 $0x0  }
0x52: {  	s18 =	simm.s32 $0x0;
	[sflag:s5] =	ssyncadd.s32 @!p0 $0xFFFFE0C0  }
0x53: {  	v2 =	vld [tilespmem:s18+$0x7800];
	_ =	sdelay $0x2  }
0x54: {  	v3 =	vld [tilespmem:s18+$0x9740];
	_ =	sdelay $0x3  }
0x55: {  	v4 =	vld [tilespmem:s18+$0xB680]  }
0x56: {  	v3 =	vadd.s32 v0, v3;
	v2 =	vld.idx.msk [tilespmem:v2+s4+$0x0], $0xffff  }
0x57: {  	[tilespmem:s18+$0x152C0] =	vst v3;
	v3 =	vld [tilespmem:s18+$0x7810];
	_ =	sdelay $0x2  }
0x58: {  	v5 =	vld [tilespmem:s18+$0x9750];
	_ =	sdelay $0x1  }
0x59: {  	v2 =	vmul.f32 v2, v4;
	_ =	sdelay $0x1  }
0x5a: {  	[tilespmem:s18+$0x13380] =	vst v2;
	v2 =	vld [tilespmem:s18+$0xB690]  }
0x5b: {  	v4 =	vadd.s32 v0, v5;
	v3 =	vld.idx.msk [tilespmem:v3+s4+$0x0], $0xffff  }
0x5c: {  	[tilespmem:s18+$0x152D0] =	vst v4;
	v4 =	vld [tilespmem:s18+$0x7820];
	_ =	sdelay $0x4  }
0x5d: {  	v5 =	vld [tilespmem:s18+$0x7830];
	v2 =	vmul.f32 v3, v2  }
0x5e: {  	v3 =	vld [tilespmem:s18+$0x9760]  }
0x5f: {  	[tilespmem:s18+$0x13390] =	vst v2;
	v2 =	vld [tilespmem:s18+$0xB6A0]  }
0x60: {  	v4 =	vld.idx.msk [tilespmem:v4+s4+$0x0], $0xffff;
	_ =	sdelay $0x1  }
0x61: {  	v6 =	vld [tilespmem:s18+$0x9770];
	_ =	sdelay $0x2  }
0x62: {  	v3 =	vadd.s32 v0, v3;
	v2 =	vmul.f32 v4, v2  }
0x63: {  	[tilespmem:s18+$0x152E0] =	vst v3  }
0x64: {  	v4 =	vadd.s32 v0, v6;
	[tilespmem:s18+$0x133A0] =	vst v2;
	v2 =	vld [tilespmem:s18+$0xB6B0]  }
0x65: {  	s19 =	simm.s32 $0x200;
	s5 =	simm.s32 $0x40;
	v3 =	vld.idx.msk [tilespmem:v5+s4+$0x0], $0xffff;
	[tilespmem:s18+$0x152F0] =	vst v4  }
.LBB2_6:
0x66: {  	p1 =	sne.s32 s19, $0x7C00;
	v4 =	vld [tilespmem:s5+$0x7800];
	_ =	sdelay $0x1  }
0x67: {  	v5 =	vld [tilespmem:s5+$0x9740];
	_ =	sdelay $0x2  }
0x68: {  	v2 =	vmul.f32 v3, v2;
	_ =	sdelay $0x1  }
0x69: {  	v3 =	vld [tilespmem:s5+$0xB680];
	v5 =	vadd.s32 v0, v5;
	[tilespmem:s18+$0x133B0] =	vst v2;
	s18 =	smov.u32 s5  }
0x6a: {  	v2 =	vld.idx.msk [tilespmem:v4+s4+$0x0], $0xffff;
	[tilespmem:s18+$0x152C0] =	vst v5  }
0x6b: {  	v4 =	vld [tilespmem:s18+$0x7810];
	_ =	sdelay $0x1  }
0x6c: {  	v5 =	vld [tilespmem:s18+$0x9750];
	_ =	sdelay $0x2  }
0x6d: {  	v2 =	vmul.f32 v2, v3;
	_ =	sdelay $0x1  }
0x6e: {  	[tilespmem:s18+$0x13380] =	vst v2;
	v2 =	vld [tilespmem:s18+$0xB690];
	v3 =	vadd.s32 v0, v5  }
0x6f: {  	v4 =	vld.idx.msk [tilespmem:v4+s4+$0x0], $0xffff;
	[tilespmem:s18+$0x152D0] =	vst v3  }
0x70: {  	v3 =	vld [tilespmem:s18+$0x7820];
	_ =	sdelay $0x4  }
0x71: {  	v2 =	vmul.f32 v4, v2  }
0x72: {  	v4 =	vld [tilespmem:s18+$0x9760]  }
0x73: {  	[tilespmem:s18+$0x13390] =	vst v2;
	v2 =	vld [tilespmem:s18+$0xB6A0]  }
0x74: {  	v3 =	vld.idx.msk [tilespmem:v3+s4+$0x0], $0xffff  }
0x75: {  	v5 =	vld [tilespmem:s18+$0x7830];
	_ =	sdelay $0x1  }
0x76: {  	v6 =	vld [tilespmem:s18+$0x9770];
	_ =	sdelay $0x1  }
.Ltmp2:
0x77: {  	(pc) =	sbr.rel @p1 .LBB2_6-.Ltmp2, $4  }
0x78: {  	v2 =	vmul.f32 v3, v2;
	v3 =	vadd.s32 v0, v4  }
0x79: {  	[tilespmem:s18+$0x152E0] =	vst v3  }
0x7a: {  	[tilespmem:s18+$0x133A0] =	vst v2;
	v2 =	vld [tilespmem:s18+$0xB6B0];
	v4 =	vadd.s32 v0, v6  }
0x7b: {  	s5 =	sshra.s32 s19, $0x2;
	s19 =	sadd.s32 $0x100, s19;
	v3 =	vld.idx.msk [tilespmem:v5+s4+$0x0], $0xffff;
	[tilespmem:s18+$0x152F0] =	vst v4  }
0x7c: {  	v4 =	vld [tilespmem:s5+$0x7800];
	_ =	sdelay $0x2  }
0x7d: {  	v5 =	vld [tilespmem:s5+$0x9740];
	_ =	sdelay $0x1  }
0x7e: {  	v2 =	vmul.f32 v3, v2;
	_ =	sdelay $0x1  }
0x7f: {  	v3 =	vld [tilespmem:s5+$0xB680];
	[tilespmem:s18+$0x133B0] =	vst v2  }
0x80: {  	v2 =	vadd.s32 v0, v5;
	v4 =	vld.idx.msk [tilespmem:v4+s4+$0x0], $0xffff  }
0x81: {  	[tilespmem:s5+$0x152C0] =	vst v2;
	v2 =	vld [tilespmem:s5+$0x7810];
	_ =	sdelay $0x2  }
0x82: {  	v5 =	vld [tilespmem:s5+$0x9750];
	_ =	sdelay $0x1  }
0x83: {  	v3 =	vmul.f32 v4, v3;
	_ =	sdelay $0x1  }
0x84: {  	[tilespmem:s5+$0x13380] =	vst v3;
	v3 =	vld [tilespmem:s5+$0xB690]  }
0x85: {  	v4 =	vadd.s32 v0, v5;
	v2 =	vld.idx.msk [tilespmem:v2+s4+$0x0], $0xffff  }
0x86: {  	[tilespmem:s5+$0x152D0] =	vst v4;
	v4 =	vld [tilespmem:s5+$0x7820];
	_ =	sdelay $0x4  }
0x87: {  	v5 =	vld [tilespmem:s5+$0x7830];
	v2 =	vmul.f32 v2, v3  }
0x88: {  	v3 =	vld [tilespmem:s5+$0x9760]  }
0x89: {  	[tilespmem:s5+$0x13390] =	vst v2;
	v2 =	vld [tilespmem:s5+$0xB6A0]  }
0x8a: {  	v4 =	vld.idx.msk [tilespmem:v4+s4+$0x0], $0xffff;
	_ =	sdelay $0x4  }
0x8b: {  	v3 =	vadd.s32 v0, v3;
	v2 =	vmul.f32 v4, v2  }
0x8c: {  	v6 =	vld [tilespmem:s5+$0x9770];
	[tilespmem:s5+$0x152E0] =	vst v3  }
0x8d: {  	[tilespmem:s5+$0x133A0] =	vst v2;
	v2 =	vld [tilespmem:s5+$0xB6B0]  }
0x8e: {  	v3 =	vld.idx.msk [tilespmem:v5+s4+$0x0], $0xffff;
	_ =	sdelay $0x1  }
0x8f: {  	p1 =	seq.s32 s17, $0x9  }
0x90: {  	s18 =	smul.u32 @!p1 $0x3E80, s17;
	_ =	sdelay $0x1  }
0x91: {  	s18 =	sshrl.u32 @!p1 s18, $0x3;
	v4 =	vadd.s32 v0, v6;
	v2 =	vmul.f32 v3, v2  }
0x92: {  	s18 =	sadd.s32 @!p1 $0x7D0, s18;
	[tilespmem:s5+$0x152F0] =	vst v4  }
0x93: {  	s19 =	simm.s32 @!p1 $0x0;
	s9 =	simm.s32 @!p1 $0x7800;
	[tilespmem:s5+$0x133B0] =	vst v2;
	s5 =	sadd.s32 @!p1 s6, s18  }
0x94: {  	[tilespmem:s9], [sflag:$0x1] =	stream.linear.gather @!p1 [hbm4b:s5+s19], $0x1F40, $0x38;
	[tilespmem:$0x1CE80] =	vst v63  }
0x95: {  	s5 =	sadd.s32 @!p1 s7, s18;
	s9 =	simm.s32 @!p1 $0x9740  }
0x96: {  	[tilespmem:s9], [sflag:$0x1] =	stream.linear.gather @!p1 [hbm4b:s5+s19], $0x1F40, $0x38;
	[tilespmem:$0x1CE80] =	vst v63  }
0x97: {  	s5 =	sadd.s32 @!p1 s2, s18;
	s9 =	simm.s32 @!p1 $0xB680  }
0x98: {  	[tilespmem:s9], [sflag:$0x1] =	stream.linear.gather @!p1 [hbm4b:s5+s19], $0x1F40, $0x38;
	[tilespmem:$0x1CE80] =	vst v63  }
0x99: {  	_ = 	snop  }
0x9a: {  	[spmem:s3] =	stream.indirect.scatter.add.f32 [tilespmem:s26], [sflag:$0x3], $0x1, s25, s24, $0xb8;
	[tilespmem:$0x1CE80] =	vst v63  }
0x9b: {  	_ =	swait.ge [sflag:s28], $0x1F40  }
0x9c: {  	[sflag:s28] =	ssyncset.done $0x0  }
0x9d: {  	[sflag:s28] =	ssyncadd.s32 $0xFFFFE0C0  }
0x9e: {  	_ =	swait.ge [sflag:s28], $0x1F40  }
0x9f: {  	[sflag:s28] =	ssyncset.done $0x0  }
0xa0: {  	[sflag:s28] =	ssyncadd.s32 $0xFFFFE0C0  }
0xa1: {  	_ =	swait.ge [sflag:s28], $0x1F40  }
0xa2: {  	[sflag:s28] =	ssyncset.done $0x0  }
0xa3: {  	s5 =	simm.s32 @!p0 $0x4;
	[sflag:s28] =	ssyncadd.s32 $0xFFFFE0C0  }
0xa4: {  	_ =	swait.ge @!p0 [sflag:s5], $0x1F40  }
0xa5: {  	[sflag:s5] =	ssyncset.done @!p0 $0x0  }
0xa6: {  	s18 =	simm.s32 $0x0;
	[sflag:s5] =	ssyncadd.s32 @!p0 $0xFFFFE0C0  }
0xa7: {  	v2 =	vld [tilespmem:s18+$0xD5C0];
	_ =	sdelay $0x2  }
0xa8: {  	v3 =	vld [tilespmem:s18+$0xF500];
	_ =	sdelay $0x3  }
0xa9: {  	v4 =	vld [tilespmem:s18+$0x11440]  }
0xaa: {  	v3 =	vadd.s32 v0, v3;
	v2 =	vld.idx.msk [tilespmem:v2+s4+$0x0], $0xffff  }
0xab: {  	[tilespmem:s18+$0x19140] =	vst v3;
	v3 =	vld [tilespmem:s18+$0xD5D0];
	_ =	sdelay $0x2  }
0xac: {  	v5 =	vld [tilespmem:s18+$0xF510];
	_ =	sdelay $0x1  }
0xad: {  	v2 =	vmul.f32 v2, v4;
	_ =	sdelay $0x1  }
0xae: {  	[tilespmem:s18+$0x17200] =	vst v2;
	v2 =	vld [tilespmem:s18+$0x11450]  }
0xaf: {  	v4 =	vadd.s32 v0, v5;
	v3 =	vld.idx.msk [tilespmem:v3+s4+$0x0], $0xffff  }
0xb0: {  	[tilespmem:s18+$0x19150] =	vst v4;
	v4 =	vld [tilespmem:s18+$0xD5E0];
	_ =	sdelay $0x4  }
0xb1: {  	v5 =	vld [tilespmem:s18+$0xD5F0];
	v2 =	vmul.f32 v3, v2  }
0xb2: {  	v3 =	vld [tilespmem:s18+$0xF520]  }
0xb3: {  	[tilespmem:s18+$0x17210] =	vst v2;
	v2 =	vld [tilespmem:s18+$0x11460]  }
0xb4: {  	v4 =	vld.idx.msk [tilespmem:v4+s4+$0x0], $0xffff;
	_ =	sdelay $0x1  }
0xb5: {  	v63 =	vld [tilespmem:s18+$0xF530];
	_ =	sdelay $0x2  }
0xb6: {  	v3 =	vadd.s32 v0, v3;
	v2 =	vmul.f32 v4, v2  }
0xb7: {  	[tilespmem:s18+$0x19160] =	vst v3  }
0xb8: {  	v4 =	vadd.s32 v0, v63;
	[tilespmem:s18+$0x17220] =	vst v2;
	v2 =	vld [tilespmem:s18+$0x11470]  }
0xb9: {  	s19 =	simm.s32 $0x200;
	s5 =	simm.s32 $0x40;
	v3 =	vld.idx.msk [tilespmem:v5+s4+$0x0], $0xffff;
	[tilespmem:s18+$0x19170] =	vst v4  }
.LBB2_8:
0xba: {  	p0 =	sne.s32 s19, $0x7C00;
	v4 =	vld [tilespmem:s5+$0xD5C0];
	_ =	sdelay $0x1  }
0xbb: {  	v5 =	vld [tilespmem:s5+$0xF500];
	_ =	sdelay $0x2  }
0xbc: {  	v2 =	vmul.f32 v3, v2;
	_ =	sdelay $0x1  }
0xbd: {  	v3 =	vld [tilespmem:s5+$0x11440];
	v5 =	vadd.s32 v0, v5;
	[tilespmem:s18+$0x17230] =	vst v2;
	s18 =	smov.u32 s5  }
0xbe: {  	v2 =	vld.idx.msk [tilespmem:v4+s4+$0x0], $0xffff;
	[tilespmem:s18+$0x19140] =	vst v5  }
0xbf: {  	v4 =	vld [tilespmem:s18+$0xD5D0];
	_ =	sdelay $0x1  }
0xc0: {  	v5 =	vld [tilespmem:s18+$0xF510];
	_ =	sdelay $0x2  }
0xc1: {  	v2 =	vmul.f32 v2, v3;
	_ =	sdelay $0x1  }
0xc2: {  	[tilespmem:s18+$0x17200] =	vst v2;
	v2 =	vld [tilespmem:s18+$0x11450];
	v3 =	vadd.s32 v0, v5  }
0xc3: {  	v4 =	vld.idx.msk [tilespmem:v4+s4+$0x0], $0xffff;
	[tilespmem:s18+$0x19150] =	vst v3  }
0xc4: {  	v3 =	vld [tilespmem:s18+$0xD5E0];
	_ =	sdelay $0x4  }
0xc5: {  	v2 =	vmul.f32 v4, v2  }
0xc6: {  	v4 =	vld [tilespmem:s18+$0xF520]  }
0xc7: {  	[tilespmem:s18+$0x17210] =	vst v2;
	v2 =	vld [tilespmem:s18+$0x11460]  }
0xc8: {  	v3 =	vld.idx.msk [tilespmem:v3+s4+$0x0], $0xffff  }
0xc9: {  	v5 =	vld [tilespmem:s18+$0xD5F0];
	_ =	sdelay $0x1  }
0xca: {  	v6 =	vld [tilespmem:s18+$0xF530];
	_ =	sdelay $0x1  }
.Ltmp3:
0xcb: {  	(pc) =	sbr.rel @p0 .LBB2_8-.Ltmp3, $4  }
0xcc: {  	v2 =	vmul.f32 v3, v2;
	v3 =	vadd.s32 v0, v4  }
0xcd: {  	[tilespmem:s18+$0x19160] =	vst v3  }
0xce: {  	[tilespmem:s18+$0x17220] =	vst v2;
	v2 =	vld [tilespmem:s18+$0x11470];
	v4 =	vadd.s32 v0, v6  }
0xcf: {  	s5 =	sshra.s32 s19, $0x2;
	s19 =	sadd.s32 $0x100, s19;
	v3 =	vld.idx.msk [tilespmem:v5+s4+$0x0], $0xffff;
	[tilespmem:s18+$0x19170] =	vst v4  }
0xd0: {  	v4 =	vld [tilespmem:s5+$0xD5C0];
	_ =	sdelay $0x2  }
0xd1: {  	v5 =	vld [tilespmem:s5+$0xF500];
	_ =	sdelay $0x1  }
0xd2: {  	v2 =	vmul.f32 v3, v2;
	_ =	sdelay $0x1  }
0xd3: {  	v3 =	vld [tilespmem:s5+$0x11440];
	[tilespmem:s18+$0x17230] =	vst v2  }
0xd4: {  	v2 =	vadd.s32 v0, v5;
	v4 =	vld.idx.msk [tilespmem:v4+s4+$0x0], $0xffff  }
0xd5: {  	[tilespmem:s5+$0x19140] =	vst v2;
	v2 =	vld [tilespmem:s5+$0xD5D0];
	_ =	sdelay $0x4  }
0xd6: {  	v59 =	vld [tilespmem:s5+$0xF510];
	v3 =	vmul.f32 v4, v3  }
0xd7: {  	v61 =	vld [tilespmem:s5+$0xD5E0]  }
0xd8: {  	[tilespmem:s5+$0x17200] =	vst v3;
	v3 =	vld [tilespmem:s5+$0x11450]  }
0xd9: {  	v2 =	vld.idx.msk [tilespmem:v2+s4+$0x0], $0xffff;
	_ =	sdelay $0x4  }
0xda: {  	v62 =	vld [tilespmem:s5+$0xD5F0];
	v60 =	vadd.s32 v0, v59;
	v2 =	vmul.f32 v2, v3  }
0xdb: {  	[tilespmem:s5+$0x19150] =	vst v60;
	v3 =	vld [tilespmem:s5+$0xF520]  }
0xdc: {  	[tilespmem:s5+$0x17210] =	vst v2;
	v2 =	vld [tilespmem:s5+$0x11460]  }
0xdd: {  	v4 =	vld.idx.msk [tilespmem:v61+s4+$0x0], $0xffff;
	_ =	sdelay $0x4  }
0xde: {  	v3 =	vadd.s32 v0, v3;
	v2 =	vmul.f32 v4, v2  }
0xdf: {  	v6 =	vld [tilespmem:s5+$0xF530];
	[tilespmem:s5+$0x19160] =	vst v3  }
0xe0: {  	[tilespmem:s5+$0x17220] =	vst v2;
	v2 =	vld [tilespmem:s5+$0x11470]  }
0xe1: {  	v3 =	vld.idx.msk [tilespmem:v62+s4+$0x0], $0xffff;
	_ =	sdelay $0x2  }
.Ltmp4:
0xe2: {  	_ = 	snop;
	(pc) =	sbr.rel @p1 .LBB2_11-.Ltmp4, $4  }
0xe3: {  	_ = 	snop  }
0xe4: {  	v63 =	vadd.s32 v0, v6;
	v2 =	vmul.f32 v3, v2  }
0xe5: {  	[tilespmem:s5+$0x19170] =	vst v63  }
0xe6: {  	[tilespmem:s5+$0x17230] =	vst v2  }
0xe7: {  	s5 =	smul.u32 $0x3E80, s17;
	_ =	sdelay $0x1  }
0xe8: {  	s5 =	sshrl.u32 s5, $0x3  }
0xe9: {  	s5 =	sadd.s32 $0xBB8, s5  }
0xea: {  	s9 =	sadd.s32 s6, s5  }
0xeb: {  	[tilespmem:s20], [sflag:$0x2] =	stream.linear.gather [hbm4b:s9+s4], $0x1F40, $0x38;
	[tilespmem:$0x1CE80] =	vst v63  }
0xec: {  	s19 =	sadd.s32 s7, s5  }
0xed: {  	[tilespmem:s21], [sflag:$0x2] =	stream.linear.gather [hbm4b:s19+s4], $0x1F40, $0x38;
	[tilespmem:$0x1CE80] =	vst v63  }
.Ltmp5:
0xee: {  	_ = 	snop;
	(pc) =	sbr.rel .LBB2_5-.Ltmp5, $4  }
0xef: {  	s5 =	sadd.s32 s2, s5  }
0xf0: {  	[tilespmem:s22], [sflag:$0x2] =	stream.linear.gather [hbm4b:s5+s4], $0x1F40, $0x38;
	[tilespmem:$0x1CE80] =	vst v63  }
0xf1: {  	s17 =	sadd.s32 $0x1, s17  }
0xf2: {  	[spmem:s3] =	stream.indirect.scatter.add.f32 [tilespmem:s30], [sflag:$0x4], $0x1, s29, s24, $0xb8;
	[tilespmem:$0x1CE80] =	vst v63  }
.LBB2_11:
0xf3: {  	[spmem:s3] =	stream.indirect.scatter.add.f32 [tilespmem:s30], [sflag:$0x4], $0x1, s29, s24, $0xb8;
	[tilespmem:$0x1CE80] =	vst v63  }
0xf4: {  	_ =	swait.ge [sflag:s31], $0x1F40  }
0xf5: {  	[sflag:s31] =	ssyncset.done $0x0  }
0xf6: {  	[sflag:s31] =	ssyncadd.s32 $0xFFFFE0C0  }
0xf7: {  	_ =	swait.ge [sflag:s0], $0x1F40  }
0xf8: {  	[sflag:s0] =	ssyncset.done $0x0  }
0xf9: {  	[sflag:s0] =	ssyncadd.s32 $0xFFFFE0C0  }
0xfa: {  	[tilespmem:s1], [sflag:$0x5] =	stream.linear.gather [spmem:s8], $0x2800, $0x38;
	[tilespmem:$0x1CE80] =	vst v63  }
0xfb: {  	_ =	swait.ge [sflag:s15], $0x2800  }
0xfc: {  	[sflag:s15] =	ssyncset.done $0x0  }
0xfd: {  	s5 =	simm.s32 $0x0;
	[sflag:s15] =	ssyncadd.s32 $0xFFFFD800  }
0xfe: {  	s17 =	simm.s32 $0x40;
	v2 =	vld [tilespmem:s5+$0x2800]  }
.LBB2_12:
0xff: {  	p0 =	sne.s32 s17, $0x9FC0;
	v3 =	vld [tilespmem:s5+$0x5000];
	_ =	sdelay $0x2  }
.Ltmp6:
0x100: {  	(pc) =	sbr.rel @p0 .LBB2_12-.Ltmp6, $4  }
0x101: {  	_ = 	snop  }
0x102: {  	v3 =	vmul.f32 v2, v3  }
0x103: {  	s9 =	sshra.s32 s17, $0x2  }
0x104: {  	s17 =	sadd.s32 $0x40, s17;
	v2 =	vld [tilespmem:s9+$0x2800];
	[tilespmem:s5+$0x5000] =	vst v3;
	s5 =	smov.u32 s9  }
0x105: {  	v3 =	vld [tilespmem:s5+$0x5000];
	_ =	sdelay $0x4  }
0x106: {  	s16 =	sadd.s32 $0x1, s16;
	v2 =	vmul.f32 v2, v3  }
0x107: {  	p0 =	sne.s32 s16, s14  }
.Ltmp7:
0x108: {  	[tilespmem:s5+$0x5000] =	vst v2;
	(pc) =	sbr.rel @p0 .LBB2_2-.Ltmp7, $4  }
0x109: {  	[hbm4b:s12+s4] =	stream.linear.scatter [tilespmem:s1], [sflag:$0x5], $0x2800, $0x38;
	[tilespmem:$0x1CE80] =	vst v63  }
0x10a: {  	_ =	swait.ge [sflag:s15], $0x2800  }
0x10b: {  	[sflag:s15] =	ssyncset.done $0x0  }
0x10c: {  	[sflag:s15] =	ssyncadd.s32 $0xFFFFD800  }
.LBB2_14:
0x10d: {  	_ =	sfence.sel $0x180000  }
0x10e: {  	[bflag:$0x0] =	sbarrier.arrive $0xFFFF  }
0x10f: {  	_ =	strace $0x9000004A  }
0x110: {  	s0 =	stileid.u32;
	[bflag:$0x2] =	sbarrier.arrive $0xFFFF  }
0x111: {  	p0 =	sne.s32 s0, $0x0;
	s0 =	rddreg [dreg:$0x4]  }
0x112: {  	s0 =	sadd.s32 @!p0 $0x100000, s0  }
0x113: {  	[sflag:s0] =	ssyncadd.tile.s32 @!p0 $0x1;
	_ =	shalt  }
.Lfunc_end2:
_tile_overlayer_lowered:
.L_overlay_start_2:
0x114: {  	(tag) =	ssettag $0x2  }
0x115: {  	s0 =	rddreg [dreg:$0x0];
	s2 =	stileid.u32  }
0x116: {  	s1 =	rddreg [dreg:$0x1];
	p0 =	sne.s32 s2, $0x0  }
0x117: {  	s3 =	rddreg [dreg:$0x2];
	[bflag:$0x3] =	sbarrier.arrive $0xFFFF;
	s2 =	simm.s32 @!p0 $0x1C05  }
0x118: {  	[timem:s3], [sflag:s2] =	dma.local @!p0 [hbm:s0], s1  }
0x119: {  	s0 =	simm.s32 @!p0 $0x5  }
0x11a: {  	_ =	swait.ge @!p0 [sflag:s0], s1  }
0x11b: {  	s1 =	ssub.s32 @!p0 $0x0, s1;
	[sflag:s0] =	ssyncset.done @!p0 $0x0  }
0x11c: {  	[sflag:s0] =	ssyncadd.s32 @!p0 s1  }
0x11d: {  	[bflag:$0x3] =	sbarrier.arrive $0xFFFF  }
0x11e: {  	_ =	shalt  }

</sc_bundles>
